<compile_context>
chip_gen: v7x
topology: tpu7x:2x2x1
jax: 0.10.2.dev20260603
libtpu: 0.0.44.dev20260713+nightly
codegen_flags: <defaults>
</compile_context>

<pallas_src>
import jax
import jax.numpy as jnp
from jax import lax
from jax.experimental import pallas as pl
from jax.experimental.pallas import tpu as pltpu
from jax.experimental.pallas import tpu_sc as plsc

_VOCAB = 64
_L = 16
_T = 50
_TM = 48
_D = 32
_B = 16384
_ROWS = _B * _T
_GCOLS = 128

_NC = 2
_NS = 16
_NW = _NC * _NS
_BPW = _B // _NW
_IPW = _BPW * _T
_MB = 8
_SEC = _MB * _TM + _L
_NSTEPS = _BPW // _MB
_NBUF = 3


def _prep_body(tab_ref, tab16_ref, c_ref):
    tab16 = tab16_ref[...]
    pos = tab_ref[0:_T, :]
    pos128 = jnp.concatenate([pos, pos, pos, pos], axis=1)
    c = tab16[None, :, :] + pos128[:, None, :]
    c_ref[...] = c.reshape(_T * 16, _GCOLS)


_prep = pl.pallas_call(
    _prep_body,
    out_shape=jax.ShapeDtypeStruct((_T * 16, _GCOLS), jnp.float32),
)


def _gather_body(c_hbm, idx_hbm, out_hbm, gbuf, bufs, tbuf, gsem, ssem):
    cid = lax.axis_index("c")
    sid = lax.axis_index("s")
    wid = sid * _NC + cid
    bbase = wid * _BPW

    pltpu.sync_copy(idx_hbm.at[pl.ds(wid * _NSTEPS * _SEC, _NSTEPS * _SEC)], gbuf)

    lane = lax.broadcasted_iota(jnp.int32, (_L,), 0)
    toff = [(c * _L + lane) * _VOCAB for c in range(3)]
    tail_off = (_TM + (lane & 1)) * _VOCAB
    sec_pat = []
    for k in range(_MB):
        sec_pat.extend(toff)
    sec_pat.append(tail_off)

    def addpos(m, carry):
        for q in range(_SEC // _L):
            off = m * _SEC + q * _L
            gbuf[pl.ds(off, _L)] = gbuf[pl.ds(off, _L)] + sec_pat[q]
        return carry

    lax.fori_loop(0, _NSTEPS, addpos, 0)

    def fire_gathers(m, bo):
        for k in range(_MB):
            pltpu.async_copy(
                c_hbm.at[gbuf.at[pl.ds(m * _SEC + k * _TM, _TM)]],
                bufs.at[bo, k, pl.ds(0, _TM)],
                gsem.at[bo],
            )
        pltpu.async_copy(
            c_hbm.at[gbuf.at[pl.ds(m * _SEC + _MB * _TM, _L)]],
            tbuf.at[bo],
            gsem.at[bo],
        )

    fire_gathers(0, 0)

    def outer(m, carry):
        bo = lax.rem(m, _NBUF)
        nbo = lax.rem(m + 1, _NBUF)

        @pl.when(jnp.logical_and(m + 1 < _NSTEPS, m + 1 >= _NBUF))
        def _wait_store():
            pltpu.make_async_copy(
                bufs.at[nbo],
                out_hbm.at[pl.ds(bbase, _MB)],
                ssem.at[nbo],
            ).wait()

        @pl.when(m + 1 < _NSTEPS)
        def _prefetch():
            fire_gathers(m + 1, nbo)

        pltpu.make_async_copy(
            out_hbm.at[pl.ds(bbase, _MB), pl.ds(0, _TM)],
            bufs.at[bo, pl.ds(0, _MB), pl.ds(0, _TM)],
            gsem.at[bo],
        ).wait()
        pltpu.make_async_copy(
            out_hbm.at[pl.ds(bbase, 1), pl.ds(0, _L)],
            tbuf.at[bo],
            gsem.at[bo],
        ).wait()
        for k in range(_MB):
            for r in range(2):
                for h in range(2):
                    bufs[bo, k, _TM + r, pl.ds(h * _L, _L)] = tbuf[
                        bo, 2 * k + r, pl.ds(h * _L, _L)
                    ]
        pltpu.async_copy(
            bufs.at[bo],
            out_hbm.at[pl.ds(bbase + m * _MB, _MB)],
            ssem.at[bo],
        )
        return carry

    lax.fori_loop(0, _NSTEPS, outer, 0)

    for bo in range(_NBUF):
        pltpu.make_async_copy(
            bufs.at[bo],
            out_hbm.at[pl.ds(bbase, _MB)],
            ssem.at[bo],
        ).wait()


_gather = pl.kernel(
    _gather_body,
    out_type=jax.ShapeDtypeStruct((_B, _T, _D), jnp.float32),
    mesh=plsc.VectorSubcoreMesh(core_axis_name="c", subcore_axis_name="s"),
    scratch_types=[
        pltpu.VMEM((_NSTEPS * _SEC,), jnp.int32),
        pltpu.VMEM((_NBUF, _MB, _T, _D), jnp.float32),
        pltpu.VMEM((_NBUF, _L, _D), jnp.float32),
        pltpu.SemaphoreType.DMA((_NBUF,)),
        pltpu.SemaphoreType.DMA((_NBUF,)),
    ],
    compiler_params=pltpu.CompilerParams(use_tc_tiling_on_sc=False),
)


def kernel(idx, token_embedding_table):
    B, T = idx.shape
    idx = idx.astype(jnp.int32)
    main = idx[:, :_TM].reshape(_B // _MB, _MB * _TM)
    tails = idx[:, _TM:_T].reshape(_B // _MB, _MB * 2)
    gstream = jnp.concatenate([main, tails], axis=1).reshape(-1)
    tab16 = token_embedding_table.reshape(16, _GCOLS)
    c_lin = _prep(token_embedding_table, tab16)
    c = c_lin.reshape(_T * _VOCAB, _D)
    return _gather(c, gstream)

# --- scband reference (transcript-rebuilt; emitter-appended) ---
"""Pipeline reference for scband-bigram-language-model-33767032881249 (READ-ONLY COPY).

The authoritative reference and input builder live on the scoring server;
editing this copy changes nothing except your own understanding.
"""

import jax, jax.numpy as jnp
import numpy as np

VOCAB_SIZE = 64
N_EMBED = 32

def setup_inputs(seed: int = 0) -> dict:
    key = jax.random.key(seed)
    k1, k2 = jax.random.split(key)
    idx = jax.random.randint(k1, (16384, 50), 0, VOCAB_SIZE, dtype=jnp.int64 if jax.config.jax_enable_x64 else jnp.int32)
    token_embedding_table = jax.random.normal(k2, (VOCAB_SIZE, N_EMBED), dtype=jnp.float32)
    return {"idx": idx, "token_embedding_table": token_embedding_table}

def reference(idx, token_embedding_table):
    B, T = idx.shape
    token_embedding = jnp.take(token_embedding_table, idx, axis=0)
    # Faithful to original module: positional embedding also uses the TOKEN table
    positional_embedding = jnp.take(token_embedding_table, jnp.arange(T), axis=0)
    x = token_embedding + positional_embedding
    return x

if __name__ == "__main__":
    import jax
    _d = setup_inputs()
    print(jax.jit(kernel)(*tuple(_d.values())))

</pallas_src>

<mosaic_0001>
#map = affine_map<(d0, d1) -> (0, 0)>
#map1 = affine_map<(d0, d1) -> (0)>
#map2 = affine_map<(d0, d1) -> (0, 0, 0)>
module attributes {stable_mosaic.version = 14 : i64} {
  func.func @_gather_body(%arg0: i32, %arg1: i32, %arg2: memref<3200x32xf32, #tpu.memory_space<hbm>>, %arg3: memref<819200xi32, #tpu.memory_space<hbm>>, %arg4: memref<16384x50x32xf32, #tpu.memory_space<hbm>>, %arg5: memref<25600xi32, #tpu.memory_space<vmem>>, %arg6: memref<3x8x50x32xf32, #tpu.memory_space<vmem>>, %arg7: memref<3x16x32xf32, #tpu.memory_space<vmem>>, %arg8: memref<3x!tpu.dma_semaphore, #tpu.memory_space<semaphore_mem>>, %arg9: memref<3x!tpu.dma_semaphore, #tpu.memory_space<semaphore_mem>>) attributes {dimension_semantics = [#tpu.dimension_semantics<core_parallel>, #tpu.dimension_semantics<subcore_parallel>], iteration_bounds = array<i64: 2, 16>, scalar_prefetch = 0 : i64, scratch_operands = 5 : i64, tpu.core_type = #tpu.core_type<sc_vector_subcore>, window_params = [{transform_indices = #map}, {transform_indices = #map1}, {transform_indices = #map2}]} {
    %mul3A = arith.constant 2 : i32
    %mul3A_0 = arith.muli %arg1, %mul3A : i32
    %add3A = arith.addi %mul3A_0, %arg0 : i32
    %mul3A_1 = arith.constant 512 : i32
    %mul3A_2 = arith.muli %add3A, %mul3A_1 : i32
    %mul3A_3 = arith.constant 64 : i32
    %mul3A_4 = arith.muli %add3A, %mul3A_3 : i32
    %mul3A_5 = arith.constant 400 : i32
    %mul3A_6 = arith.muli %mul3A_4, %mul3A_5 : i32
    "tpu.region"() ({
      %run_scoped3A = tpu.sem_alloc : memref<!tpu.dma_semaphore, #tpu.memory_space<semaphore_mem>>
      %dma_start3A_227 = tpu.memref_slice %arg3[%mul3A_6] : memref<819200xi32, #tpu.memory_space<hbm>> -> memref<25600xi32, #tpu.memory_space<hbm>>
      %dma_start3A_228 = tpu.memref_slice %arg3[%mul3A_6] : memref<819200xi32, #tpu.memory_space<hbm>> -> memref<25600xi32, #tpu.memory_space<hbm>>
      tpu.enqueue_dma source(%dma_start3A_228 : memref<25600xi32, #tpu.memory_space<hbm>>) target(%arg5 : memref<25600xi32, #tpu.memory_space<vmem>>) target_semaphore(%run_scoped3A : memref<!tpu.dma_semaphore, #tpu.memory_space<semaphore_mem>>)
      %dma_wait3A_229 = tpu.memref_slice %arg3[%mul3A_6] : memref<819200xi32, #tpu.memory_space<hbm>> -> memref<25600xi32, #tpu.memory_space<hbm>>
      %dma_wait3A_230 = tpu.memref_slice %arg3[%mul3A_6] : memref<819200xi32, #tpu.memory_space<hbm>> -> memref<25600xi32, #tpu.memory_space<hbm>>
      tpu.wait_dma2 semaphore(%run_scoped3A : memref<!tpu.dma_semaphore, #tpu.memory_space<semaphore_mem>>) src(%dma_wait3A_230 : memref<25600xi32, #tpu.memory_space<hbm>>) dst(%arg5 : memref<25600xi32, #tpu.memory_space<vmem>>)
      tpu.yield
    }) : () -> ()
    %iota3A = tpu.iota {dimensions = array<i32: 0>} : vector<16xi32>
    %add3A_7 = arith.constant 0 : i32
    %add3A_8 = vector.broadcast %add3A_7 : i32 to vector<16xi32>
    %add3A_9 = arith.addi %add3A_8, %iota3A : vector<16xi32>
    %mul3A_10 = arith.constant 64 : i32
    %mul3A_11 = vector.broadcast %mul3A_10 : i32 to vector<16xi32>
    %mul3A_12 = arith.muli %add3A_9, %mul3A_11 : vector<16xi32>
    %add3A_13 = arith.constant 16 : i32
    %add3A_14 = vector.broadcast %add3A_13 : i32 to vector<16xi32>
    %add3A_15 = arith.addi %add3A_14, %iota3A : vector<16xi32>
    %mul3A_16 = arith.constant 64 : i32
    %mul3A_17 = vector.broadcast %mul3A_16 : i32 to vector<16xi32>
    %mul3A_18 = arith.muli %add3A_15, %mul3A_17 : vector<16xi32>
    %add3A_19 = arith.constant 32 : i32
    %add3A_20 = vector.broadcast %add3A_19 : i32 to vector<16xi32>
    %add3A_21 = arith.addi %add3A_20, %iota3A : vector<16xi32>
    %mul3A_22 = arith.constant 64 : i32
    %mul3A_23 = vector.broadcast %mul3A_22 : i32 to vector<16xi32>
    %mul3A_24 = arith.muli %add3A_21, %mul3A_23 : vector<16xi32>
    %and3A = arith.constant 1 : i32
    %and3A_25 = vector.broadcast %and3A : i32 to vector<16xi32>
    %and3A_26 = arith.andi %iota3A, %and3A_25 : vector<16xi32>
    %add3A_27 = arith.constant 48 : i32
    %add3A_28 = vector.broadcast %add3A_27 : i32 to vector<16xi32>
    %add3A_29 = arith.addi %add3A_28, %and3A_26 : vector<16xi32>
    %mul3A_30 = arith.constant 64 : i32
    %mul3A_31 = vector.broadcast %mul3A_30 : i32 to vector<16xi32>
    %mul3A_32 = arith.muli %add3A_29, %mul3A_31 : vector<16xi32>
    %scan3A = arith.constant 0 : i32
    %scan3A_33 = arith.constant 0 : i32
    %scan3A_34 = arith.constant 64 : i32
    %scan3A_35 = arith.addi %scan3A_33, %scan3A_34 : i32
    %scan3A_36 = arith.constant 1 : i32
    scf.for %scan3A_227 = %scan3A_33 to %scan3A_35 step %scan3A_36  : i32 {
      %mul3A_228 = arith.constant 400 : i32
      %mul3A_229 = arith.muli %scan3A_227, %mul3A_228 : i32
      %add3A_230 = arith.constant 0 : i32
      %add3A_231 = arith.addi %mul3A_229, %add3A_230 : i32
      %get3A = arith.index_cast %add3A_231 : i32 to index
      %get3A_232 = tpu.vector_load %arg5[%get3A] {strides = array<i32>} : memref<25600xi32, #tpu.memory_space<vmem>>, vector<16xi32>,
      %get3A_233 = vector.shape_cast %get3A_232 : vector<16xi32> to vector<16xi32>
      %add3A_234 = arith.addi %get3A_233, %mul3A_12 : vector<16xi32>
      %swap3A = arith.index_cast %add3A_231 : i32 to index
      %swap3A_235 = tpu.vector_load %arg5[%swap3A] {strides = array<i32>} : memref<25600xi32, #tpu.memory_space<vmem>>, vector<16xi32>,
      %swap3A_236 = vector.shape_cast %swap3A_235 : vector<16xi32> to vector<16xi32>
      %swap3A_237 = vector.shape_cast %add3A_234 : vector<16xi32> to vector<16xi32>
      tpu.vector_store %arg5[%swap3A], %swap3A_237 {strides = array<i32>} : memref<25600xi32, #tpu.memory_space<vmem>>, vector<16xi32>,
      %mul3A_238 = arith.constant 400 : i32
      %mul3A_239 = arith.muli %scan3A_227, %mul3A_238 : i32
      %add3A_240 = arith.constant 16 : i32
      %add3A_241 = arith.addi %mul3A_239, %add3A_240 : i32
      %get3A_242 = arith.index_cast %add3A_241 : i32 to index
      %get3A_243 = tpu.vector_load %arg5[%get3A_242] {strides = array<i32>} : memref<25600xi32, #tpu.memory_space<vmem>>, vector<16xi32>,
      %get3A_244 = vector.shape_cast %get3A_243 : vector<16xi32> to vector<16xi32>
      %add3A_245 = arith.addi %get3A_244, %mul3A_18 : vector<16xi32>
      %swap3A_246 = arith.index_cast %add3A_241 : i32 to index
      %swap3A_247 = tpu.vector_load %arg5[%swap3A_246] {strides = array<i32>} : memref<25600xi32, #tpu.memory_space<vmem>>, vector<16xi32>,
      %swap3A_248 = vector.shape_cast %swap3A_247 : vector<16xi32> to vector<16xi32>
      %swap3A_249 = vector.shape_cast %add3A_245 : vector<16xi32> to vector<16xi32>
      tpu.vector_store %arg5[%swap3A_246], %swap3A_249 {strides = array<i32>} : memref<25600xi32, #tpu.memory_space<vmem>>, vector<16xi32>,
      %mul3A_250 = arith.constant 400 : i32
      %mul3A_251 = arith.muli %scan3A_227, %mul3A_250 : i32
      %add3A_252 = arith.constant 32 : i32
      %add3A_253 = arith.addi %mul3A_251, %add3A_252 : i32
      %get3A_254 = arith.index_cast %add3A_253 : i32 to index
      %get3A_255 = tpu.vector_load %arg5[%get3A_254] {strides = array<i32>} : memref<25600xi32, #tpu.memory_space<vmem>>, vector<16xi32>,
      %get3A_256 = vector.shape_cast %get3A_255 : vector<16xi32> to vector<16xi32>
      %add3A_257 = arith.addi %get3A_256, %mul3A_24 : vector<16xi32>
      %swap3A_258 = arith.index_cast %add3A_253 : i32 to index
      %swap3A_259 = tpu.vector_load %arg5[%swap3A_258] {strides = array<i32>} : memref<25600xi32, #tpu.memory_space<vmem>>, vector<16xi32>,
      %swap3A_260 = vector.shape_cast %swap3A_259 : vector<16xi32> to vector<16xi32>
      %swap3A_261 = vector.shape_cast %add3A_257 : vector<16xi32> to vector<16xi32>
      tpu.vector_store %arg5[%swap3A_258], %swap3A_261 {strides = array<i32>} : memref<25600xi32, #tpu.memory_space<vmem>>, vector<16xi32>,
      %mul3A_262 = arith.constant 400 : i32
      %mul3A_263 = arith.muli %scan3A_227, %mul3A_262 : i32
      %add3A_264 = arith.constant 48 : i32
      %add3A_265 = arith.addi %mul3A_263, %add3A_264 : i32
      %get3A_266 = arith.index_cast %add3A_265 : i32 to index
      %get3A_267 = tpu.vector_load %arg5[%get3A_266] {strides = array<i32>} : memref<25600xi32, #tpu.memory_space<vmem>>, vector<16xi32>,
      %get3A_268 = vector.shape_cast %get3A_267 : vector<16xi32> to vector<16xi32>
      %add3A_269 = arith.addi %get3A_268, %mul3A_12 : vector<16xi32>
      %swap3A_270 = arith.index_cast %add3A_265 : i32 to index
      %swap3A_271 = tpu.vector_load %arg5[%swap3A_270] {strides = array<i32>} : memref<25600xi32, #tpu.memory_space<vmem>>, vector<16xi32>,
      %swap3A_272 = vector.shape_cast %swap3A_271 : vector<16xi32> to vector<16xi32>
      %swap3A_273 = vector.shape_cast %add3A_269 : vector<16xi32> to vector<16xi32>
      tpu.vector_store %arg5[%swap3A_270], %swap3A_273 {strides = array<i32>} : memref<25600xi32, #tpu.memory_space<vmem>>, vector<16xi32>,
      %mul3A_274 = arith.constant 400 : i32
      %mul3A_275 = arith.muli %scan3A_227, %mul3A_274 : i32
      %add3A_276 = arith.constant 64 : i32
      %add3A_277 = arith.addi %mul3A_275, %add3A_276 : i32
      %get3A_278 = arith.index_cast %add3A_277 : i32 to index
      %get3A_279 = tpu.vector_load %arg5[%get3A_278] {strides = array<i32>} : memref<25600xi32, #tpu.memory_space<vmem>>, vector<16xi32>,
      %get3A_280 = vector.shape_cast %get3A_279 : vector<16xi32> to vector<16xi32>
      %add3A_281 = arith.addi %get3A_280, %mul3A_18 : vector<16xi32>
      %swap3A_282 = arith.index_cast %add3A_277 : i32 to index
      %swap3A_283 = tpu.vector_load %arg5[%swap3A_282] {strides = array<i32>} : memref<25600xi32, #tpu.memory_space<vmem>>, vector<16xi32>,
      %swap3A_284 = vector.shape_cast %swap3A_283 : vector<16xi32> to vector<16xi32>
      %swap3A_285 = vector.shape_cast %add3A_281 : vector<16xi32> to vector<16xi32>
      tpu.vector_store %arg5[%swap3A_282], %swap3A_285 {strides = array<i32>} : memref<25600xi32, #tpu.memory_space<vmem>>, vector<16xi32>,
      %mul3A_286 = arith.constant 400 : i32
      %mul3A_287 = arith.muli %scan3A_227, %mul3A_286 : i32
      %add3A_288 = arith.constant 80 : i32
      %add3A_289 = arith.addi %mul3A_287, %add3A_288 : i32
      %get3A_290 = arith.index_cast %add3A_289 : i32 to index
      %get3A_291 = tpu.vector_load %arg5[%get3A_290] {strides = array<i32>} : memref<25600xi32, #tpu.memory_space<vmem>>, vector<16xi32>,
      %get3A_292 = vector.shape_cast %get3A_291 : vector<16xi32> to vector<16xi32>
      %add3A_293 = arith.addi %get3A_292, %mul3A_24 : vector<16xi32>
      %swap3A_294 = arith.index_cast %add3A_289 : i32 to index
      %swap3A_295 = tpu.vector_load %arg5[%swap3A_294] {strides = array<i32>} : memref<25600xi32, #tpu.memory_space<vmem>>, vector<16xi32>,
      %swap3A_296 = vector.shape_cast %swap3A_295 : vector<16xi32> to vector<16xi32>
      %swap3A_297 = vector.shape_cast %add3A_293 : vector<16xi32> to vector<16xi32>
      tpu.vector_store %arg5[%swap3A_294], %swap3A_297 {strides = array<i32>} : memref<25600xi32, #tpu.memory_space<vmem>>, vector<16xi32>,
      %mul3A_298 = arith.constant 400 : i32
      %mul3A_299 = arith.muli %scan3A_227, %mul3A_298 : i32
      %add3A_300 = arith.constant 96 : i32
      %add3A_301 = arith.addi %mul3A_299, %add3A_300 : i32
      %get3A_302 = arith.index_cast %add3A_301 : i32 to index
      %get3A_303 = tpu.vector_load %arg5[%get3A_302] {strides = array<i32>} : memref<25600xi32, #tpu.memory_space<vmem>>, vector<16xi32>,
      %get3A_304 = vector.shape_cast %get3A_303 : vector<16xi32> to vector<16xi32>
      %add3A_305 = arith.addi %get3A_304, %mul3A_12 : vector<16xi32>
      %swap3A_306 = arith.index_cast %add3A_301 : i32 to index
      %swap3A_307 = tpu.vector_load %arg5[%swap3A_306] {strides = array<i32>} : memref<25600xi32, #tpu.memory_space<vmem>>, vector<16xi32>,
      %swap3A_308 = vector.shape_cast %swap3A_307 : vector<16xi32> to vector<16xi32>
      %swap3A_309 = vector.shape_cast %add3A_305 : vector<16xi32> to vector<16xi32>
      tpu.vector_store %arg5[%swap3A_306], %swap3A_309 {strides = array<i32>} : memref<25600xi32, #tpu.memory_space<vmem>>, vector<16xi32>,
      %mul3A_310 = arith.constant 400 : i32
      %mul3A_311 = arith.muli %scan3A_227, %mul3A_310 : i32
      %add3A_312 = arith.constant 112 : i32
      %add3A_313 = arith.addi %mul3A_311, %add3A_312 : i32
      %get3A_314 = arith.index_cast %add3A_313 : i32 to index
      %get3A_315 = tpu.vector_load %arg5[%get3A_314] {strides = array<i32>} : memref<25600xi32, #tpu.memory_space<vmem>>, vector<16xi32>,
      %get3A_316 = vector.shape_cast %get3A_315 : vector<16xi32> to vector<16xi32>
      %add3A_317 = arith.addi %get3A_316, %mul3A_18 : vector<16xi32>
      %swap3A_318 = arith.index_cast %add3A_313 : i32 to index
      %swap3A_319 = tpu.vector_load %arg5[%swap3A_318] {strides = array<i32>} : memref<25600xi32, #tpu.memory_space<vmem>>, vector<16xi32>,
      %swap3A_320 = vector.shape_cast %swap3A_319 : vector<16xi32> to vector<16xi32>
      %swap3A_321 = vector.shape_cast %add3A_317 : vector<16xi32> to vector<16xi32>
      tpu.vector_store %arg5[%swap3A_318], %swap3A_321 {strides = array<i32>} : memref<25600xi32, #tpu.memory_space<vmem>>, vector<16xi32>,
      %mul3A_322 = arith.constant 400 : i32
      %mul3A_323 = arith.muli %scan3A_227, %mul3A_322 : i32
      %add3A_324 = arith.constant 128 : i32
      %add3A_325 = arith.addi %mul3A_323, %add3A_324 : i32
      %get3A_326 = arith.index_cast %add3A_325 : i32 to index
      %get3A_327 = tpu.vector_load %arg5[%get3A_326] {strides = array<i32>} : memref<25600xi32, #tpu.memory_space<vmem>>, vector<16xi32>,
      %get3A_328 = vector.shape_cast %get3A_327 : vector<16xi32> to vector<16xi32>
      %add3A_329 = arith.addi %get3A_328, %mul3A_24 : vector<16xi32>
      %swap3A_330 = arith.index_cast %add3A_325 : i32 to index
      %swap3A_331 = tpu.vector_load %arg5[%swap3A_330] {strides = array<i32>} : memref<25600xi32, #tpu.memory_space<vmem>>, vector<16xi32>,
      %swap3A_332 = vector.shape_cast %swap3A_331 : vector<16xi32> to vector<16xi32>
      %swap3A_333 = vector.shape_cast %add3A_329 : vector<16xi32> to vector<16xi32>
      tpu.vector_store %arg5[%swap3A_330], %swap3A_333 {strides = array<i32>} : memref<25600xi32, #tpu.memory_space<vmem>>, vector<16xi32>,
      %mul3A_334 = arith.constant 400 : i32
      %mul3A_335 = arith.muli %scan3A_227, %mul3A_334 : i32
      %add3A_336 = arith.constant 144 : i32
      %add3A_337 = arith.addi %mul3A_335, %add3A_336 : i32
      %get3A_338 = arith.index_cast %add3A_337 : i32 to index
      %get3A_339 = tpu.vector_load %arg5[%get3A_338] {strides = array<i32>} : memref<25600xi32, #tpu.memory_space<vmem>>, vector<16xi32>,
      %get3A_340 = vector.shape_cast %get3A_339 : vector<16xi32> to vector<16xi32>
      %add3A_341 = arith.addi %get3A_340, %mul3A_12 : vector<16xi32>
      %swap3A_342 = arith.index_cast %add3A_337 : i32 to index
      %swap3A_343 = tpu.vector_load %arg5[%swap3A_342] {strides = array<i32>} : memref<25600xi32, #tpu.memory_space<vmem>>, vector<16xi32>,
      %swap3A_344 = vector.shape_cast %swap3A_343 : vector<16xi32> to vector<16xi32>
      %swap3A_345 = vector.shape_cast %add3A_341 : vector<16xi32> to vector<16xi32>
      tpu.vector_store %arg5[%swap3A_342], %swap3A_345 {strides = array<i32>} : memref<25600xi32, #tpu.memory_space<vmem>>, vector<16xi32>,
      %mul3A_346 = arith.constant 400 : i32
      %mul3A_347 = arith.muli %scan3A_227, %mul3A_346 : i32
      %add3A_348 = arith.constant 160 : i32
      %add3A_349 = arith.addi %mul3A_347, %add3A_348 : i32
      %get3A_350 = arith.index_cast %add3A_349 : i32 to index
      %get3A_351 = tpu.vector_load %arg5[%get3A_350] {strides = array<i32>} : memref<25600xi32, #tpu.memory_space<vmem>>, vector<16xi32>,
      %get3A_352 = vector.shape_cast %get3A_351 : vector<16xi32> to vector<16xi32>
      %add3A_353 = arith.addi %get3A_352, %mul3A_18 : vector<16xi32>
      %swap3A_354 = arith.index_cast %add3A_349 : i32 to index
      %swap3A_355 = tpu.vector_load %arg5[%swap3A_354] {strides = array<i32>} : memref<25600xi32, #tpu.memory_space<vmem>>, vector<16xi32>,
      %swap3A_356 = vector.shape_cast %swap3A_355 : vector<16xi32> to vector<16xi32>
      %swap3A_357 = vector.shape_cast %add3A_353 : vector<16xi32> to vector<16xi32>
      tpu.vector_store %arg5[%swap3A_354], %swap3A_357 {strides = array<i32>} : memref<25600xi32, #tpu.memory_space<vmem>>, vector<16xi32>,
      %mul3A_358 = arith.constant 400 : i32
      %mul3A_359 = arith.muli %scan3A_227, %mul3A_358 : i32
      %add3A_360 = arith.constant 176 : i32
      %add3A_361 = arith.addi %mul3A_359, %add3A_360 : i32
      %get3A_362 = arith.index_cast %add3A_361 : i32 to index
      %get3A_363 = tpu.vector_load %arg5[%get3A_362] {strides = array<i32>} : memref<25600xi32, #tpu.memory_space<vmem>>, vector<16xi32>,
      %get3A_364 = vector.shape_cast %get3A_363 : vector<16xi32> to vector<16xi32>
      %add3A_365 = arith.addi %get3A_364, %mul3A_24 : vector<16xi32>
      %swap3A_366 = arith.index_cast %add3A_361 : i32 to index
      %swap3A_367 = tpu.vector_load %arg5[%swap3A_366] {strides = array<i32>} : memref<25600xi32, #tpu.memory_space<vmem>>, vector<16xi32>,
      %swap3A_368 = vector.shape_cast %swap3A_367 : vector<16xi32> to vector<16xi32>
      %swap3A_369 = vector.shape_cast %add3A_365 : vector<16xi32> to vector<16xi32>
      tpu.vector_store %arg5[%swap3A_366], %swap3A_369 {strides = array<i32>} : memref<25600xi32, #tpu.memory_space<vmem>>, vector<16xi32>,
      %mul3A_370 = arith.constant 400 : i32
      %mul3A_371 = arith.muli %scan3A_227, %mul3A_370 : i32
      %add3A_372 = arith.constant 192 : i32
      %add3A_373 = arith.addi %mul3A_371, %add3A_372 : i32
      %get3A_374 = arith.index_cast %add3A_373 : i32 to index
      %get3A_375 = tpu.vector_load %arg5[%get3A_374] {strides = array<i32>} : memref<25600xi32, #tpu.memory_space<vmem>>, vector<16xi32>,
      %get3A_376 = vector.shape_cast %get3A_375 : vector<16xi32> to vector<16xi32>
      %add3A_377 = arith.addi %get3A_376, %mul3A_12 : vector<16xi32>
      %swap3A_378 = arith.index_cast %add3A_373 : i32 to index
      %swap3A_379 = tpu.vector_load %arg5[%swap3A_378] {strides = array<i32>} : memref<25600xi32, #tpu.memory_space<vmem>>, vector<16xi32>,
      %swap3A_380 = vector.shape_cast %swap3A_379 : vector<16xi32> to vector<16xi32>
      %swap3A_381 = vector.shape_cast %add3A_377 : vector<16xi32> to vector<16xi32>
      tpu.vector_store %arg5[%swap3A_378], %swap3A_381 {strides = array<i32>} : memref<25600xi32, #tpu.memory_space<vmem>>, vector<16xi32>,
      %mul3A_382 = arith.constant 400 : i32
      %mul3A_383 = arith.muli %scan3A_227, %mul3A_382 : i32
      %add3A_384 = arith.constant 208 : i32
      %add3A_385 = arith.addi %mul3A_383, %add3A_384 : i32
      %get3A_386 = arith.index_cast %add3A_385 : i32 to index
      %get3A_387 = tpu.vector_load %arg5[%get3A_386] {strides = array<i32>} : memref<25600xi32, #tpu.memory_space<vmem>>, vector<16xi32>,
      %get3A_388 = vector.shape_cast %get3A_387 : vector<16xi32> to vector<16xi32>
      %add3A_389 = arith.addi %get3A_388, %mul3A_18 : vector<16xi32>
      %swap3A_390 = arith.index_cast %add3A_385 : i32 to index
      %swap3A_391 = tpu.vector_load %arg5[%swap3A_390] {strides = array<i32>} : memref<25600xi32, #tpu.memory_space<vmem>>, vector<16xi32>,
      %swap3A_392 = vector.shape_cast %swap3A_391 : vector<16xi32> to vector<16xi32>
      %swap3A_393 = vector.shape_cast %add3A_389 : vector<16xi32> to vector<16xi32>
      tpu.vector_store %arg5[%swap3A_390], %swap3A_393 {strides = array<i32>} : memref<25600xi32, #tpu.memory_space<vmem>>, vector<16xi32>,
      %mul3A_394 = arith.constant 400 : i32
      %mul3A_395 = arith.muli %scan3A_227, %mul3A_394 : i32
      %add3A_396 = arith.constant 224 : i32
      %add3A_397 = arith.addi %mul3A_395, %add3A_396 : i32
      %get3A_398 = arith.index_cast %add3A_397 : i32 to index
      %get3A_399 = tpu.vector_load %arg5[%get3A_398] {strides = array<i32>} : memref<25600xi32, #tpu.memory_space<vmem>>, vector<16xi32>,
      %get3A_400 = vector.shape_cast %get3A_399 : vector<16xi32> to vector<16xi32>
      %add3A_401 = arith.addi %get3A_400, %mul3A_24 : vector<16xi32>
      %swap3A_402 = arith.index_cast %add3A_397 : i32 to index
      %swap3A_403 = tpu.vector_load %arg5[%swap3A_402] {strides = array<i32>} : memref<25600xi32, #tpu.memory_space<vmem>>, vector<16xi32>,
      %swap3A_404 = vector.shape_cast %swap3A_403 : vector<16xi32> to vector<16xi32>
      %swap3A_405 = vector.shape_cast %add3A_401 : vector<16xi32> to vector<16xi32>
      tpu.vector_store %arg5[%swap3A_402], %swap3A_405 {strides = array<i32>} : memref<25600xi32, #tpu.memory_space<vmem>>, vector<16xi32>,
      %mul3A_406 = arith.constant 400 : i32
      %mul3A_407 = arith.muli %scan3A_227, %mul3A_406 : i32
      %add3A_408 = arith.constant 240 : i32
      %add3A_409 = arith.addi %mul3A_407, %add3A_408 : i32
      %get3A_410 = arith.index_cast %add3A_409 : i32 to index
      %get3A_411 = tpu.vector_load %arg5[%get3A_410] {strides = array<i32>} : memref<25600xi32, #tpu.memory_space<vmem>>, vector<16xi32>,
      %get3A_412 = vector.shape_cast %get3A_411 : vector<16xi32> to vector<16xi32>
      %add3A_413 = arith.addi %get3A_412, %mul3A_12 : vector<16xi32>
      %swap3A_414 = arith.index_cast %add3A_409 : i32 to index
      %swap3A_415 = tpu.vector_load %arg5[%swap3A_414] {strides = array<i32>} : memref<25600xi32, #tpu.memory_space<vmem>>, vector<16xi32>,
      %swap3A_416 = vector.shape_cast %swap3A_415 : vector<16xi32> to vector<16xi32>
      %swap3A_417 = vector.shape_cast %add3A_413 : vector<16xi32> to vector<16xi32>
      tpu.vector_store %arg5[%swap3A_414], %swap3A_417 {strides = array<i32>} : memref<25600xi32, #tpu.memory_space<vmem>>, vector<16xi32>,
      %mul3A_418 = arith.constant 400 : i32
      %mul3A_419 = arith.muli %scan3A_227, %mul3A_418 : i32
      %add3A_420 = arith.constant 256 : i32
      %add3A_421 = arith.addi %mul3A_419, %add3A_420 : i32
      %get3A_422 = arith.index_cast %add3A_421 : i32 to index
      %get3A_423 = tpu.vector_load %arg5[%get3A_422] {strides = array<i32>} : memref<25600xi32, #tpu.memory_space<vmem>>, vector<16xi32>,
      %get3A_424 = vector.shape_cast %get3A_423 : vector<16xi32> to vector<16xi32>
      %add3A_425 = arith.addi %get3A_424, %mul3A_18 : vector<16xi32>
      %swap3A_426 = arith.index_cast %add3A_421 : i32 to index
      %swap3A_427 = tpu.vector_load %arg5[%swap3A_426] {strides = array<i32>} : memref<25600xi32, #tpu.memory_space<vmem>>, vector<16xi32>,
      %swap3A_428 = vector.shape_cast %swap3A_427 : vector<16xi32> to vector<16xi32>
      %swap3A_429 = vector.shape_cast %add3A_425 : vector<16xi32> to vector<16xi32>
      tpu.vector_store %arg5[%swap3A_426], %swap3A_429 {strides = array<i32>} : memref<25600xi32, #tpu.memory_space<vmem>>, vector<16xi32>,
      %mul3A_430 = arith.constant 400 : i32
      %mul3A_431 = arith.muli %scan3A_227, %mul3A_430 : i32
      %add3A_432 = arith.constant 272 : i32
      %add3A_433 = arith.addi %mul3A_431, %add3A_432 : i32
      %get3A_434 = arith.index_cast %add3A_433 : i32 to index
      %get3A_435 = tpu.vector_load %arg5[%get3A_434] {strides = array<i32>} : memref<25600xi32, #tpu.memory_space<vmem>>, vector<16xi32>,
      %get3A_436 = vector.shape_cast %get3A_435 : vector<16xi32> to vector<16xi32>
      %add3A_437 = arith.addi %get3A_436, %mul3A_24 : vector<16xi32>
      %swap3A_438 = arith.index_cast %add3A_433 : i32 to index
      %swap3A_439 = tpu.vector_load %arg5[%swap3A_438] {strides = array<i32>} : memref<25600xi32, #tpu.memory_space<vmem>>, vector<16xi32>,
      %swap3A_440 = vector.shape_cast %swap3A_439 : vector<16xi32> to vector<16xi32>
      %swap3A_441 = vector.shape_cast %add3A_437 : vector<16xi32> to vector<16xi32>
      tpu.vector_store %arg5[%swap3A_438], %swap3A_441 {strides = array<i32>} : memref<25600xi32, #tpu.memory_space<vmem>>, vector<16xi32>,
      %mul3A_442 = arith.constant 400 : i32
      %mul3A_443 = arith.muli %scan3A_227, %mul3A_442 : i32
      %add3A_444 = arith.constant 288 : i32
      %add3A_445 = arith.addi %mul3A_443, %add3A_444 : i32
      %get3A_446 = arith.index_cast %add3A_445 : i32 to index
      %get3A_447 = tpu.vector_load %arg5[%get3A_446] {strides = array<i32>} : memref<25600xi32, #tpu.memory_space<vmem>>, vector<16xi32>,
      %get3A_448 = vector.shape_cast %get3A_447 : vector<16xi32> to vector<16xi32>
      %add3A_449 = arith.addi %get3A_448, %mul3A_12 : vector<16xi32>
      %swap3A_450 = arith.index_cast %add3A_445 : i32 to index
      %swap3A_451 = tpu.vector_load %arg5[%swap3A_450] {strides = array<i32>} : memref<25600xi32, #tpu.memory_space<vmem>>, vector<16xi32>,
      %swap3A_452 = vector.shape_cast %swap3A_451 : vector<16xi32> to vector<16xi32>
      %swap3A_453 = vector.shape_cast %add3A_449 : vector<16xi32> to vector<16xi32>
      tpu.vector_store %arg5[%swap3A_450], %swap3A_453 {strides = array<i32>} : memref<25600xi32, #tpu.memory_space<vmem>>, vector<16xi32>,
      %mul3A_454 = arith.constant 400 : i32
      %mul3A_455 = arith.muli %scan3A_227, %mul3A_454 : i32
      %add3A_456 = arith.constant 304 : i32
      %add3A_457 = arith.addi %mul3A_455, %add3A_456 : i32
      %get3A_458 = arith.index_cast %add3A_457 : i32 to index
      %get3A_459 = tpu.vector_load %arg5[%get3A_458] {strides = array<i32>} : memref<25600xi32, #tpu.memory_space<vmem>>, vector<16xi32>,
      %get3A_460 = vector.shape_cast %get3A_459 : vector<16xi32> to vector<16xi32>
      %add3A_461 = arith.addi %get3A_460, %mul3A_18 : vector<16xi32>
      %swap3A_462 = arith.index_cast %add3A_457 : i32 to index
      %swap3A_463 = tpu.vector_load %arg5[%swap3A_462] {strides = array<i32>} : memref<25600xi32, #tpu.memory_space<vmem>>, vector<16xi32>,
      %swap3A_464 = vector.shape_cast %swap3A_463 : vector<16xi32> to vector<16xi32>
      %swap3A_465 = vector.shape_cast %add3A_461 : vector<16xi32> to vector<16xi32>
      tpu.vector_store %arg5[%swap3A_462], %swap3A_465 {strides = array<i32>} : memref<25600xi32, #tpu.memory_space<vmem>>, vector<16xi32>,
      %mul3A_466 = arith.constant 400 : i32
      %mul3A_467 = arith.muli %scan3A_227, %mul3A_466 : i32
      %add3A_468 = arith.constant 320 : i32
      %add3A_469 = arith.addi %mul3A_467, %add3A_468 : i32
      %get3A_470 = arith.index_cast %add3A_469 : i32 to index
      %get3A_471 = tpu.vector_load %arg5[%get3A_470] {strides = array<i32>} : memref<25600xi32, #tpu.memory_space<vmem>>, vector<16xi32>,
      %get3A_472 = vector.shape_cast %get3A_471 : vector<16xi32> to vector<16xi32>
      %add3A_473 = arith.addi %get3A_472, %mul3A_24 : vector<16xi32>
      %swap3A_474 = arith.index_cast %add3A_469 : i32 to index
      %swap3A_475 = tpu.vector_load %arg5[%swap3A_474] {strides = array<i32>} : memref<25600xi32, #tpu.memory_space<vmem>>, vector<16xi32>,
      %swap3A_476 = vector.shape_cast %swap3A_475 : vector<16xi32> to vector<16xi32>
      %swap3A_477 = vector.shape_cast %add3A_473 : vector<16xi32> to vector<16xi32>
      tpu.vector_store %arg5[%swap3A_474], %swap3A_477 {strides = array<i32>} : memref<25600xi32, #tpu.memory_space<vmem>>, vector<16xi32>,
      %mul3A_478 = arith.constant 400 : i32
      %mul3A_479 = arith.muli %scan3A_227, %mul3A_478 : i32
      %add3A_480 = arith.constant 336 : i32
      %add3A_481 = arith.addi %mul3A_479, %add3A_480 : i32
      %get3A_482 = arith.index_cast %add3A_481 : i32 to index
      %get3A_483 = tpu.vector_load %arg5[%get3A_482] {strides = array<i32>} : memref<25600xi32, #tpu.memory_space<vmem>>, vector<16xi32>,
      %get3A_484 = vector.shape_cast %get3A_483 : vector<16xi32> to vector<16xi32>
      %add3A_485 = arith.addi %get3A_484, %mul3A_12 : vector<16xi32>
      %swap3A_486 = arith.index_cast %add3A_481 : i32 to index
      %swap3A_487 = tpu.vector_load %arg5[%swap3A_486] {strides = array<i32>} : memref<25600xi32, #tpu.memory_space<vmem>>, vector<16xi32>,
      %swap3A_488 = vector.shape_cast %swap3A_487 : vector<16xi32> to vector<16xi32>
      %swap3A_489 = vector.shape_cast %add3A_485 : vector<16xi32> to vector<16xi32>
      tpu.vector_store %arg5[%swap3A_486], %swap3A_489 {strides = array<i32>} : memref<25600xi32, #tpu.memory_space<vmem>>, vector<16xi32>,
      %mul3A_490 = arith.constant 400 : i32
      %mul3A_491 = arith.muli %scan3A_227, %mul3A_490 : i32
      %add3A_492 = arith.constant 352 : i32
      %add3A_493 = arith.addi %mul3A_491, %add3A_492 : i32
      %get3A_494 = arith.index_cast %add3A_493 : i32 to index
      %get3A_495 = tpu.vector_load %arg5[%get3A_494] {strides = array<i32>} : memref<25600xi32, #tpu.memory_space<vmem>>, vector<16xi32>,
      %get3A_496 = vector.shape_cast %get3A_495 : vector<16xi32> to vector<16xi32>
      %add3A_497 = arith.addi %get3A_496, %mul3A_18 : vector<16xi32>
      %swap3A_498 = arith.index_cast %add3A_493 : i32 to index
      %swap3A_499 = tpu.vector_load %arg5[%swap3A_498] {strides = array<i32>} : memref<25600xi32, #tpu.memory_space<vmem>>, vector<16xi32>,
      %swap3A_500 = vector.shape_cast %swap3A_499 : vector<16xi32> to vector<16xi32>
      %swap3A_501 = vector.shape_cast %add3A_497 : vector<16xi32> to vector<16xi32>
      tpu.vector_store %arg5[%swap3A_498], %swap3A_501 {strides = array<i32>} : memref<25600xi32, #tpu.memory_space<vmem>>, vector<16xi32>,
      %mul3A_502 = arith.constant 400 : i32
      %mul3A_503 = arith.muli %scan3A_227, %mul3A_502 : i32
      %add3A_504 = arith.constant 368 : i32
      %add3A_505 = arith.addi %mul3A_503, %add3A_504 : i32
      %get3A_506 = arith.index_cast %add3A_505 : i32 to index
      %get3A_507 = tpu.vector_load %arg5[%get3A_506] {strides = array<i32>} : memref<25600xi32, #tpu.memory_space<vmem>>, vector<16xi32>,
      %get3A_508 = vector.shape_cast %get3A_507 : vector<16xi32> to vector<16xi32>
      %add3A_509 = arith.addi %get3A_508, %mul3A_24 : vector<16xi32>
      %swap3A_510 = arith.index_cast %add3A_505 : i32 to index
      %swap3A_511 = tpu.vector_load %arg5[%swap3A_510] {strides = array<i32>} : memref<25600xi32, #tpu.memory_space<vmem>>, vector<16xi32>,
      %swap3A_512 = vector.shape_cast %swap3A_511 : vector<16xi32> to vector<16xi32>
      %swap3A_513 = vector.shape_cast %add3A_509 : vector<16xi32> to vector<16xi32>
      tpu.vector_store %arg5[%swap3A_510], %swap3A_513 {strides = array<i32>} : memref<25600xi32, #tpu.memory_space<vmem>>, vector<16xi32>,
      %mul3A_514 = arith.constant 400 : i32
      %mul3A_515 = arith.muli %scan3A_227, %mul3A_514 : i32
      %add3A_516 = arith.constant 384 : i32
      %add3A_517 = arith.addi %mul3A_515, %add3A_516 : i32
      %get3A_518 = arith.index_cast %add3A_517 : i32 to index
      %get3A_519 = tpu.vector_load %arg5[%get3A_518] {strides = array<i32>} : memref<25600xi32, #tpu.memory_space<vmem>>, vector<16xi32>,
      %get3A_520 = vector.shape_cast %get3A_519 : vector<16xi32> to vector<16xi32>
      %add3A_521 = arith.addi %get3A_520, %mul3A_32 : vector<16xi32>
      %swap3A_522 = arith.index_cast %add3A_517 : i32 to index
      %swap3A_523 = tpu.vector_load %arg5[%swap3A_522] {strides = array<i32>} : memref<25600xi32, #tpu.memory_space<vmem>>, vector<16xi32>,
      %swap3A_524 = vector.shape_cast %swap3A_523 : vector<16xi32> to vector<16xi32>
      %swap3A_525 = vector.shape_cast %add3A_521 : vector<16xi32> to vector<16xi32>
      tpu.vector_store %arg5[%swap3A_522], %swap3A_525 {strides = array<i32>} : memref<25600xi32, #tpu.memory_space<vmem>>, vector<16xi32>,
    }
    %scan3A_37 = arith.constant 64 : i32
    %dma_start3A = arith.constant 0 : i32
    %dma_start3A_38 = arith.constant 0 : i32
    %dma_start3A_39 = arith.constant 0 : i32
    %dma_start3A_40 = arith.constant 0 : i32
    %dma_start3A_41 = arith.constant 0 : i32
    %dma_start3A_42 = tpu.memref_slice %arg6[%dma_start3A, %dma_start3A_38, %dma_start3A_40, %dma_start3A_41] : memref<3x8x50x32xf32, #tpu.memory_space<vmem>> -> memref<1x1x48x32xf32, #tpu.memory_space<vmem>>
    %dma_start3A_43 = tpu.memref_squeeze %dma_start3A_42 : memref<1x1x48x32xf32, #tpu.memory_space<vmem>> -> memref<48x32xf32, #tpu.memory_space<vmem>>
    %dma_start3A_44 = arith.constant 0 : i32
    %dma_start3A_45 = tpu.memref_slice %arg5[%dma_start3A_44] : memref<25600xi32, #tpu.memory_space<vmem>> -> memref<48xi32, #tpu.memory_space<vmem>>
    %dma_start3A_46 = arith.constant 0 : i32
    %dma_start3A_47 = arith.constant 0 : i32
    %dma_start3A_48 = tpu.memref_slice %arg2[%dma_start3A_46, %dma_start3A_47] : memref<3200x32xf32, #tpu.memory_space<hbm>> -> memref<3200x32xf32, #tpu.memory_space<hbm>>
    %dma_start3A_49 = tpu.memref_slice %arg8[%dma_start3A_39] : memref<3x!tpu.dma_semaphore, #tpu.memory_space<semaphore_mem>> -> memref<1x!tpu.dma_semaphore, #tpu.memory_space<semaphore_mem>>
    %dma_start3A_50 = tpu.memref_squeeze %dma_start3A_49 : memref<1x!tpu.dma_semaphore, #tpu.memory_space<semaphore_mem>> -> memref<!tpu.dma_semaphore, #tpu.memory_space<semaphore_mem>>
    tpu.enqueue_indirect_dma source(%dma_start3A_48 : memref<3200x32xf32, #tpu.memory_space<hbm>>) target(%dma_start3A_43 : memref<48x32xf32, #tpu.memory_space<vmem>>) offsets(%dma_start3A_45 : memref<48xi32, #tpu.memory_space<vmem>>) semaphore(%dma_start3A_50 : memref<!tpu.dma_semaphore, #tpu.memory_space<semaphore_mem>>)
    %dma_start3A_51 = arith.constant 0 : i32
    %dma_start3A_52 = arith.constant 1 : i32
    %dma_start3A_53 = arith.constant 0 : i32
    %dma_start3A_54 = arith.constant 0 : i32
    %dma_start3A_55 = arith.constant 0 : i32
    %dma_start3A_56 = tpu.memref_slice %arg6[%dma_start3A_51, %dma_start3A_52, %dma_start3A_54, %dma_start3A_55] : memref<3x8x50x32xf32, #tpu.memory_space<vmem>> -> memref<1x1x48x32xf32, #tpu.memory_space<vmem>>
    %dma_start3A_57 = tpu.memref_squeeze %dma_start3A_56 : memref<1x1x48x32xf32, #tpu.memory_space<vmem>> -> memref<48x32xf32, #tpu.memory_space<vmem>>
    %dma_start3A_58 = arith.constant 48 : i32
    %dma_start3A_59 = tpu.memref_slice %arg5[%dma_start3A_58] : memref<25600xi32, #tpu.memory_space<vmem>> -> memref<48xi32, #tpu.memory_space<vmem>>
    %dma_start3A_60 = arith.constant 0 : i32
    %dma_start3A_61 = arith.constant 0 : i32
    %dma_start3A_62 = tpu.memref_slice %arg2[%dma_start3A_60, %dma_start3A_61] : memref<3200x32xf32, #tpu.memory_space<hbm>> -> memref<3200x32xf32, #tpu.memory_space<hbm>>
    %dma_start3A_63 = tpu.memref_slice %arg8[%dma_start3A_53] : memref<3x!tpu.dma_semaphore, #tpu.memory_space<semaphore_mem>> -> memref<1x!tpu.dma_semaphore, #tpu.memory_space<semaphore_mem>>
    %dma_start3A_64 = tpu.memref_squeeze %dma_start3A_63 : memref<1x!tpu.dma_semaphore, #tpu.memory_space<semaphore_mem>> -> memref<!tpu.dma_semaphore, #tpu.memory_space<semaphore_mem>>
    tpu.enqueue_indirect_dma source(%dma_start3A_62 : memref<3200x32xf32, #tpu.memory_space<hbm>>) target(%dma_start3A_57 : memref<48x32xf32, #tpu.memory_space<vmem>>) offsets(%dma_start3A_59 : memref<48xi32, #tpu.memory_space<vmem>>) semaphore(%dma_start3A_64 : memref<!tpu.dma_semaphore, #tpu.memory_space<semaphore_mem>>)
    %dma_start3A_65 = arith.constant 0 : i32
    %dma_start3A_66 = arith.constant 2 : i32
    %dma_start3A_67 = arith.constant 0 : i32
    %dma_start3A_68 = arith.constant 0 : i32
    %dma_start3A_69 = arith.constant 0 : i32
    %dma_start3A_70 = tpu.memref_slice %arg6[%dma_start3A_65, %dma_start3A_66, %dma_start3A_68, %dma_start3A_69] : memref<3x8x50x32xf32, #tpu.memory_space<vmem>> -> memref<1x1x48x32xf32, #tpu.memory_space<vmem>>
    %dma_start3A_71 = tpu.memref_squeeze %dma_start3A_70 : memref<1x1x48x32xf32, #tpu.memory_space<vmem>> -> memref<48x32xf32, #tpu.memory_space<vmem>>
    %dma_start3A_72 = arith.constant 96 : i32
    %dma_start3A_73 = tpu.memref_slice %arg5[%dma_start3A_72] : memref<25600xi32, #tpu.memory_space<vmem>> -> memref<48xi32, #tpu.memory_space<vmem>>
    %dma_start3A_74 = arith.constant 0 : i32
    %dma_start3A_75 = arith.constant 0 : i32
    %dma_start3A_76 = tpu.memref_slice %arg2[%dma_start3A_74, %dma_start3A_75] : memref<3200x32xf32, #tpu.memory_space<hbm>> -> memref<3200x32xf32, #tpu.memory_space<hbm>>
    %dma_start3A_77 = tpu.memref_slice %arg8[%dma_start3A_67] : memref<3x!tpu.dma_semaphore, #tpu.memory_space<semaphore_mem>> -> memref<1x!tpu.dma_semaphore, #tpu.memory_space<semaphore_mem>>
    %dma_start3A_78 = tpu.memref_squeeze %dma_start3A_77 : memref<1x!tpu.dma_semaphore, #tpu.memory_space<semaphore_mem>> -> memref<!tpu.dma_semaphore, #tpu.memory_space<semaphore_mem>>
    tpu.enqueue_indirect_dma source(%dma_start3A_76 : memref<3200x32xf32, #tpu.memory_space<hbm>>) target(%dma_start3A_71 : memref<48x32xf32, #tpu.memory_space<vmem>>) offsets(%dma_start3A_73 : memref<48xi32, #tpu.memory_space<vmem>>) semaphore(%dma_start3A_78 : memref<!tpu.dma_semaphore, #tpu.memory_space<semaphore_mem>>)
    %dma_start3A_79 = arith.constant 0 : i32
    %dma_start3A_80 = arith.constant 3 : i32
    %dma_start3A_81 = arith.constant 0 : i32
    %dma_start3A_82 = arith.constant 0 : i32
    %dma_start3A_83 = arith.constant 0 : i32
    %dma_start3A_84 = tpu.memref_slice %arg6[%dma_start3A_79, %dma_start3A_80, %dma_start3A_82, %dma_start3A_83] : memref<3x8x50x32xf32, #tpu.memory_space<vmem>> -> memref<1x1x48x32xf32, #tpu.memory_space<vmem>>
    %dma_start3A_85 = tpu.memref_squeeze %dma_start3A_84 : memref<1x1x48x32xf32, #tpu.memory_space<vmem>> -> memref<48x32xf32, #tpu.memory_space<vmem>>
    %dma_start3A_86 = arith.constant 144 : i32
    %dma_start3A_87 = tpu.memref_slice %arg5[%dma_start3A_86] : memref<25600xi32, #tpu.memory_space<vmem>> -> memref<48xi32, #tpu.memory_space<vmem>>
    %dma_start3A_88 = arith.constant 0 : i32
    %dma_start3A_89 = arith.constant 0 : i32
    %dma_start3A_90 = tpu.memref_slice %arg2[%dma_start3A_88, %dma_start3A_89] : memref<3200x32xf32, #tpu.memory_space<hbm>> -> memref<3200x32xf32, #tpu.memory_space<hbm>>
    %dma_start3A_91 = tpu.memref_slice %arg8[%dma_start3A_81] : memref<3x!tpu.dma_semaphore, #tpu.memory_space<semaphore_mem>> -> memref<1x!tpu.dma_semaphore, #tpu.memory_space<semaphore_mem>>
    %dma_start3A_92 = tpu.memref_squeeze %dma_start3A_91 : memref<1x!tpu.dma_semaphore, #tpu.memory_space<semaphore_mem>> -> memref<!tpu.dma_semaphore, #tpu.memory_space<semaphore_mem>>
    tpu.enqueue_indirect_dma source(%dma_start3A_90 : memref<3200x32xf32, #tpu.memory_space<hbm>>) target(%dma_start3A_85 : memref<48x32xf32, #tpu.memory_space<vmem>>) offsets(%dma_start3A_87 : memref<48xi32, #tpu.memory_space<vmem>>) semaphore(%dma_start3A_92 : memref<!tpu.dma_semaphore, #tpu.memory_space<semaphore_mem>>)
    %dma_start3A_93 = arith.constant 0 : i32
    %dma_start3A_94 = arith.constant 4 : i32
    %dma_start3A_95 = arith.constant 0 : i32
    %dma_start3A_96 = arith.constant 0 : i32
    %dma_start3A_97 = arith.constant 0 : i32
    %dma_start3A_98 = tpu.memref_slice %arg6[%dma_start3A_93, %dma_start3A_94, %dma_start3A_96, %dma_start3A_97] : memref<3x8x50x32xf32, #tpu.memory_space<vmem>> -> memref<1x1x48x32xf32, #tpu.memory_space<vmem>>
    %dma_start3A_99 = tpu.memref_squeeze %dma_start3A_98 : memref<1x1x48x32xf32, #tpu.memory_space<vmem>> -> memref<48x32xf32, #tpu.memory_space<vmem>>
    %dma_start3A_100 = arith.constant 192 : i32
    %dma_start3A_101 = tpu.memref_slice %arg5[%dma_start3A_100] : memref<25600xi32, #tpu.memory_space<vmem>> -> memref<48xi32, #tpu.memory_space<vmem>>
    %dma_start3A_102 = arith.constant 0 : i32
    %dma_start3A_103 = arith.constant 0 : i32
    %dma_start3A_104 = tpu.memref_slice %arg2[%dma_start3A_102, %dma_start3A_103] : memref<3200x32xf32, #tpu.memory_space<hbm>> -> memref<3200x32xf32, #tpu.memory_space<hbm>>
    %dma_start3A_105 = tpu.memref_slice %arg8[%dma_start3A_95] : memref<3x!tpu.dma_semaphore, #tpu.memory_space<semaphore_mem>> -> memref<1x!tpu.dma_semaphore, #tpu.memory_space<semaphore_mem>>
    %dma_start3A_106 = tpu.memref_squeeze %dma_start3A_105 : memref<1x!tpu.dma_semaphore, #tpu.memory_space<semaphore_mem>> -> memref<!tpu.dma_semaphore, #tpu.memory_space<semaphore_mem>>
    tpu.enqueue_indirect_dma source(%dma_start3A_104 : memref<3200x32xf32, #tpu.memory_space<hbm>>) target(%dma_start3A_99 : memref<48x32xf32, #tpu.memory_space<vmem>>) offsets(%dma_start3A_101 : memref<48xi32, #tpu.memory_space<vmem>>) semaphore(%dma_start3A_106 : memref<!tpu.dma_semaphore, #tpu.memory_space<semaphore_mem>>)
    %dma_start3A_107 = arith.constant 0 : i32
    %dma_start3A_108 = arith.constant 5 : i32
    %dma_start3A_109 = arith.constant 0 : i32
    %dma_start3A_110 = arith.constant 0 : i32
    %dma_start3A_111 = arith.constant 0 : i32
    %dma_start3A_112 = tpu.memref_slice %arg6[%dma_start3A_107, %dma_start3A_108, %dma_start3A_110, %dma_start3A_111] : memref<3x8x50x32xf32, #tpu.memory_space<vmem>> -> memref<1x1x48x32xf32, #tpu.memory_space<vmem>>
    %dma_start3A_113 = tpu.memref_squeeze %dma_start3A_112 : memref<1x1x48x32xf32, #tpu.memory_space<vmem>> -> memref<48x32xf32, #tpu.memory_space<vmem>>
    %dma_start3A_114 = arith.constant 240 : i32
    %dma_start3A_115 = tpu.memref_slice %arg5[%dma_start3A_114] : memref<25600xi32, #tpu.memory_space<vmem>> -> memref<48xi32, #tpu.memory_space<vmem>>
    %dma_start3A_116 = arith.constant 0 : i32
    %dma_start3A_117 = arith.constant 0 : i32
    %dma_start3A_118 = tpu.memref_slice %arg2[%dma_start3A_116, %dma_start3A_117] : memref<3200x32xf32, #tpu.memory_space<hbm>> -> memref<3200x32xf32, #tpu.memory_space<hbm>>
    %dma_start3A_119 = tpu.memref_slice %arg8[%dma_start3A_109] : memref<3x!tpu.dma_semaphore, #tpu.memory_space<semaphore_mem>> -> memref<1x!tpu.dma_semaphore, #tpu.memory_space<semaphore_mem>>
    %dma_start3A_120 = tpu.memref_squeeze %dma_start3A_119 : memref<1x!tpu.dma_semaphore, #tpu.memory_space<semaphore_mem>> -> memref<!tpu.dma_semaphore, #tpu.memory_space<semaphore_mem>>
    tpu.enqueue_indirect_dma source(%dma_start3A_118 : memref<3200x32xf32, #tpu.memory_space<hbm>>) target(%dma_start3A_113 : memref<48x32xf32, #tpu.memory_space<vmem>>) offsets(%dma_start3A_115 : memref<48xi32, #tpu.memory_space<vmem>>) semaphore(%dma_start3A_120 : memref<!tpu.dma_semaphore, #tpu.memory_space<semaphore_mem>>)
    %dma_start3A_121 = arith.constant 0 : i32
    %dma_start3A_122 = arith.constant 6 : i32
    %dma_start3A_123 = arith.constant 0 : i32
    %dma_start3A_124 = arith.constant 0 : i32
    %dma_start3A_125 = arith.constant 0 : i32
    %dma_start3A_126 = tpu.memref_slice %arg6[%dma_start3A_121, %dma_start3A_122, %dma_start3A_124, %dma_start3A_125] : memref<3x8x50x32xf32, #tpu.memory_space<vmem>> -> memref<1x1x48x32xf32, #tpu.memory_space<vmem>>
    %dma_start3A_127 = tpu.memref_squeeze %dma_start3A_126 : memref<1x1x48x32xf32, #tpu.memory_space<vmem>> -> memref<48x32xf32, #tpu.memory_space<vmem>>
    %dma_start3A_128 = arith.constant 288 : i32
    %dma_start3A_129 = tpu.memref_slice %arg5[%dma_start3A_128] : memref<25600xi32, #tpu.memory_space<vmem>> -> memref<48xi32, #tpu.memory_space<vmem>>
    %dma_start3A_130 = arith.constant 0 : i32
    %dma_start3A_131 = arith.constant 0 : i32
    %dma_start3A_132 = tpu.memref_slice %arg2[%dma_start3A_130, %dma_start3A_131] : memref<3200x32xf32, #tpu.memory_space<hbm>> -> memref<3200x32xf32, #tpu.memory_space<hbm>>
    %dma_start3A_133 = tpu.memref_slice %arg8[%dma_start3A_123] : memref<3x!tpu.dma_semaphore, #tpu.memory_space<semaphore_mem>> -> memref<1x!tpu.dma_semaphore, #tpu.memory_space<semaphore_mem>>
    %dma_start3A_134 = tpu.memref_squeeze %dma_start3A_133 : memref<1x!tpu.dma_semaphore, #tpu.memory_space<semaphore_mem>> -> memref<!tpu.dma_semaphore, #tpu.memory_space<semaphore_mem>>
    tpu.enqueue_indirect_dma source(%dma_start3A_132 : memref<3200x32xf32, #tpu.memory_space<hbm>>) target(%dma_start3A_127 : memref<48x32xf32, #tpu.memory_space<vmem>>) offsets(%dma_start3A_129 : memref<48xi32, #tpu.memory_space<vmem>>) semaphore(%dma_start3A_134 : memref<!tpu.dma_semaphore, #tpu.memory_space<semaphore_mem>>)
    %dma_start3A_135 = arith.constant 0 : i32
    %dma_start3A_136 = arith.constant 7 : i32
    %dma_start3A_137 = arith.constant 0 : i32
    %dma_start3A_138 = arith.constant 0 : i32
    %dma_start3A_139 = arith.constant 0 : i32
    %dma_start3A_140 = tpu.memref_slice %arg6[%dma_start3A_135, %dma_start3A_136, %dma_start3A_138, %dma_start3A_139] : memref<3x8x50x32xf32, #tpu.memory_space<vmem>> -> memref<1x1x48x32xf32, #tpu.memory_space<vmem>>
    %dma_start3A_141 = tpu.memref_squeeze %dma_start3A_140 : memref<1x1x48x32xf32, #tpu.memory_space<vmem>> -> memref<48x32xf32, #tpu.memory_space<vmem>>
    %dma_start3A_142 = arith.constant 336 : i32
    %dma_start3A_143 = tpu.memref_slice %arg5[%dma_start3A_142] : memref<25600xi32, #tpu.memory_space<vmem>> -> memref<48xi32, #tpu.memory_space<vmem>>
    %dma_start3A_144 = arith.constant 0 : i32
    %dma_start3A_145 = arith.constant 0 : i32
    %dma_start3A_146 = tpu.memref_slice %arg2[%dma_start3A_144, %dma_start3A_145] : memref<3200x32xf32, #tpu.memory_space<hbm>> -> memref<3200x32xf32, #tpu.memory_space<hbm>>
    %dma_start3A_147 = tpu.memref_slice %arg8[%dma_start3A_137] : memref<3x!tpu.dma_semaphore, #tpu.memory_space<semaphore_mem>> -> memref<1x!tpu.dma_semaphore, #tpu.memory_space<semaphore_mem>>
    %dma_start3A_148 = tpu.memref_squeeze %dma_start3A_147 : memref<1x!tpu.dma_semaphore, #tpu.memory_space<semaphore_mem>> -> memref<!tpu.dma_semaphore, #tpu.memory_space<semaphore_mem>>
    tpu.enqueue_indirect_dma source(%dma_start3A_146 : memref<3200x32xf32, #tpu.memory_space<hbm>>) target(%dma_start3A_141 : memref<48x32xf32, #tpu.memory_space<vmem>>) offsets(%dma_start3A_143 : memref<48xi32, #tpu.memory_space<vmem>>) semaphore(%dma_start3A_148 : memref<!tpu.dma_semaphore, #tpu.memory_space<semaphore_mem>>)
    %dma_start3A_149 = arith.constant 0 : i32
    %dma_start3A_150 = arith.constant 0 : i32
    %dma_start3A_151 = arith.constant 0 : i32
    %dma_start3A_152 = arith.constant 0 : i32
    %dma_start3A_153 = tpu.memref_slice %arg7[%dma_start3A_149, %dma_start3A_151, %dma_start3A_152] : memref<3x16x32xf32, #tpu.memory_space<vmem>> -> memref<1x16x32xf32, #tpu.memory_space<vmem>>
    %dma_start3A_154 = tpu.memref_squeeze %dma_start3A_153 : memref<1x16x32xf32, #tpu.memory_space<vmem>> -> memref<16x32xf32, #tpu.memory_space<vmem>>
    %dma_start3A_155 = arith.constant 384 : i32
    %dma_start3A_156 = tpu.memref_slice %arg5[%dma_start3A_155] : memref<25600xi32, #tpu.memory_space<vmem>> -> memref<16xi32, #tpu.memory_space<vmem>>
    %dma_start3A_157 = arith.constant 0 : i32
    %dma_start3A_158 = arith.constant 0 : i32
    %dma_start3A_159 = tpu.memref_slice %arg2[%dma_start3A_157, %dma_start3A_158] : memref<3200x32xf32, #tpu.memory_space<hbm>> -> memref<3200x32xf32, #tpu.memory_space<hbm>>
    %dma_start3A_160 = tpu.memref_slice %arg8[%dma_start3A_150] : memref<3x!tpu.dma_semaphore, #tpu.memory_space<semaphore_mem>> -> memref<1x!tpu.dma_semaphore, #tpu.memory_space<semaphore_mem>>
    %dma_start3A_161 = tpu.memref_squeeze %dma_start3A_160 : memref<1x!tpu.dma_semaphore, #tpu.memory_space<semaphore_mem>> -> memref<!tpu.dma_semaphore, #tpu.memory_space<semaphore_mem>>
    tpu.enqueue_indirect_dma source(%dma_start3A_159 : memref<3200x32xf32, #tpu.memory_space<hbm>>) target(%dma_start3A_154 : memref<16x32xf32, #tpu.memory_space<vmem>>) offsets(%dma_start3A_156 : memref<16xi32, #tpu.memory_space<vmem>>) semaphore(%dma_start3A_161 : memref<!tpu.dma_semaphore, #tpu.memory_space<semaphore_mem>>)
    %scan3A_162 = arith.constant 0 : i32
    %scan3A_163 = arith.constant 0 : i32
    %scan3A_164 = arith.constant 64 : i32
    %scan3A_165 = arith.addi %scan3A_163, %scan3A_164 : i32
    %scan3A_166 = arith.constant 1 : i32
    scf.for %scan3A_227 = %scan3A_163 to %scan3A_165 step %scan3A_166  : i32 {
      %rem3A = arith.constant 3 : i32
      %rem3A_228 = arith.remsi %scan3A_227, %rem3A : i32
      %add3A_229 = arith.constant 1 : i32
      %add3A_230 = arith.addi %scan3A_227, %add3A_229 : i32
      %rem3A_231 = arith.constant 3 : i32
      %rem3A_232 = arith.remsi %add3A_230, %rem3A_231 : i32
      %add3A_233 = arith.constant 1 : i32
      %add3A_234 = arith.addi %scan3A_227, %add3A_233 : i32
      %lt3A = arith.constant 64 : i32
      %lt3A_235 = arith.cmpi slt, %add3A_234, %lt3A : i32
      %add3A_236 = arith.constant 1 : i32
      %add3A_237 = arith.addi %scan3A_227, %add3A_236 : i32
      %ge3A = arith.constant 3 : i32
      %ge3A_238 = arith.cmpi sge, %add3A_237, %ge3A : i32
      %and3A_239 = arith.andi %lt3A_235, %ge3A_238 : i1
      %convert_element_type3A = arith.extui %and3A_239 : i1 to i32
      %cond3A = arith.constant 0 : i32
      %cond3A_240 = arith.cmpi ne, %convert_element_type3A, %cond3A : i32
      scf.if %cond3A_240 {
        %dma_wait3A_781 = arith.constant 0 : i32
        %dma_wait3A_782 = arith.constant 0 : i32
        %dma_wait3A_783 = arith.constant 0 : i32
        %dma_wait3A_784 = tpu.memref_slice %arg6[%rem3A_232, %dma_wait3A_781, %dma_wait3A_782, %dma_wait3A_783] : memref<3x8x50x32xf32, #tpu.memory_space<vmem>> -> memref<1x8x50x32xf32, #tpu.memory_space<vmem>>
        %dma_wait3A_785 = tpu.memref_squeeze %dma_wait3A_784 : memref<1x8x50x32xf32, #tpu.memory_space<vmem>> -> memref<8x50x32xf32, #tpu.memory_space<vmem>>
        %dma_wait3A_786 = arith.constant 0 : i32
        %dma_wait3A_787 = arith.constant 0 : i32
        %dma_wait3A_788 = tpu.memref_slice %arg4[%mul3A_2, %dma_wait3A_786, %dma_wait3A_787] : memref<16384x50x32xf32, #tpu.memory_space<hbm>> -> memref<8x50x32xf32, #tpu.memory_space<hbm>>
        %dma_wait3A_789 = tpu.memref_slice %arg9[%rem3A_232] : memref<3x!tpu.dma_semaphore, #tpu.memory_space<semaphore_mem>> -> memref<1x!tpu.dma_semaphore, #tpu.memory_space<semaphore_mem>>
        %dma_wait3A_790 = tpu.memref_squeeze %dma_wait3A_789 : memref<1x!tpu.dma_semaphore, #tpu.memory_space<semaphore_mem>> -> memref<!tpu.dma_semaphore, #tpu.memory_space<semaphore_mem>>
        %dma_wait3A_791 = arith.constant 0 : i32
        %dma_wait3A_792 = arith.constant 0 : i32
        %dma_wait3A_793 = tpu.memref_slice %arg4[%mul3A_2, %dma_wait3A_791, %dma_wait3A_792] : memref<16384x50x32xf32, #tpu.memory_space<hbm>> -> memref<8x50x32xf32, #tpu.memory_space<hbm>>
        %dma_wait3A_794 = arith.constant 0 : i32
        %dma_wait3A_795 = arith.constant 0 : i32
        %dma_wait3A_796 = arith.constant 0 : i32
        %dma_wait3A_797 = tpu.memref_slice %arg6[%rem3A_232, %dma_wait3A_794, %dma_wait3A_795, %dma_wait3A_796] : memref<3x8x50x32xf32, #tpu.memory_space<vmem>> -> memref<1x8x50x32xf32, #tpu.memory_space<vmem>>
        %dma_wait3A_798 = tpu.memref_squeeze %dma_wait3A_797 : memref<1x8x50x32xf32, #tpu.memory_space<vmem>> -> memref<8x50x32xf32, #tpu.memory_space<vmem>>
        tpu.wait_dma2 semaphore(%dma_wait3A_790 : memref<!tpu.dma_semaphore, #tpu.memory_space<semaphore_mem>>) src(%dma_wait3A_798 : memref<8x50x32xf32, #tpu.memory_space<vmem>>) dst(%dma_wait3A_793 : memref<8x50x32xf32, #tpu.memory_space<hbm>>)
      } else {
      }
      %add3A_241 = arith.constant 1 : i32
      %add3A_242 = arith.addi %scan3A_227, %add3A_241 : i32
      %lt3A_243 = arith.constant 64 : i32
      %lt3A_244 = arith.cmpi slt, %add3A_242, %lt3A_243 : i32
      %convert_element_type3A_245 = arith.extui %lt3A_244 : i1 to i32
      %cond3A_246 = arith.constant 0 : i32
      %cond3A_247 = arith.cmpi ne, %convert_element_type3A_245, %cond3A_246 : i32
      scf.if %cond3A_247 {
        %add3A_781 = arith.constant 1 : i32
        %add3A_782 = arith.addi %scan3A_227, %add3A_781 : i32
        %mul3A_783 = arith.constant 400 : i32
        %mul3A_784 = arith.muli %add3A_782, %mul3A_783 : i32
        %add3A_785 = arith.constant 0 : i32
        %add3A_786 = arith.addi %mul3A_784, %add3A_785 : i32
        %dma_start3A_787 = arith.constant 0 : i32
        %dma_start3A_788 = arith.constant 0 : i32
        %dma_start3A_789 = arith.constant 0 : i32
        %dma_start3A_790 = tpu.memref_slice %arg6[%rem3A_232, %dma_start3A_787, %dma_start3A_788, %dma_start3A_789] : memref<3x8x50x32xf32, #tpu.memory_space<vmem>> -> memref<1x1x48x32xf32, #tpu.memory_space<vmem>>
        %dma_start3A_791 = tpu.memref_squeeze %dma_start3A_790 : memref<1x1x48x32xf32, #tpu.memory_space<vmem>> -> memref<48x32xf32, #tpu.memory_space<vmem>>
        %dma_start3A_792 = tpu.memref_slice %arg5[%add3A_786] : memref<25600xi32, #tpu.memory_space<vmem>> -> memref<48xi32, #tpu.memory_space<vmem>>
        %dma_start3A_793 = arith.constant 0 : i32
        %dma_start3A_794 = arith.constant 0 : i32
        %dma_start3A_795 = tpu.memref_slice %arg2[%dma_start3A_793, %dma_start3A_794] : memref<3200x32xf32, #tpu.memory_space<hbm>> -> memref<3200x32xf32, #tpu.memory_space<hbm>>
        %dma_start3A_796 = tpu.memref_slice %arg8[%rem3A_232] : memref<3x!tpu.dma_semaphore, #tpu.memory_space<semaphore_mem>> -> memref<1x!tpu.dma_semaphore, #tpu.memory_space<semaphore_mem>>
        %dma_start3A_797 = tpu.memref_squeeze %dma_start3A_796 : memref<1x!tpu.dma_semaphore, #tpu.memory_space<semaphore_mem>> -> memref<!tpu.dma_semaphore, #tpu.memory_space<semaphore_mem>>
        tpu.enqueue_indirect_dma source(%dma_start3A_795 : memref<3200x32xf32, #tpu.memory_space<hbm>>) target(%dma_start3A_791 : memref<48x32xf32, #tpu.memory_space<vmem>>) offsets(%dma_start3A_792 : memref<48xi32, #tpu.memory_space<vmem>>) semaphore(%dma_start3A_797 : memref<!tpu.dma_semaphore, #tpu.memory_space<semaphore_mem>>)
        %mul3A_798 = arith.constant 400 : i32
        %mul3A_799 = arith.muli %add3A_782, %mul3A_798 : i32
        %add3A_800 = arith.constant 48 : i32
        %add3A_801 = arith.addi %mul3A_799, %add3A_800 : i32
        %dma_start3A_802 = arith.constant 1 : i32
        %dma_start3A_803 = arith.constant 0 : i32
        %dma_start3A_804 = arith.constant 0 : i32
        %dma_start3A_805 = tpu.memref_slice %arg6[%rem3A_232, %dma_start3A_802, %dma_start3A_803, %dma_start3A_804] : memref<3x8x50x32xf32, #tpu.memory_space<vmem>> -> memref<1x1x48x32xf32, #tpu.memory_space<vmem>>
        %dma_start3A_806 = tpu.memref_squeeze %dma_start3A_805 : memref<1x1x48x32xf32, #tpu.memory_space<vmem>> -> memref<48x32xf32, #tpu.memory_space<vmem>>
        %dma_start3A_807 = tpu.memref_slice %arg5[%add3A_801] : memref<25600xi32, #tpu.memory_space<vmem>> -> memref<48xi32, #tpu.memory_space<vmem>>
        %dma_start3A_808 = arith.constant 0 : i32
        %dma_start3A_809 = arith.constant 0 : i32
        %dma_start3A_810 = tpu.memref_slice %arg2[%dma_start3A_808, %dma_start3A_809] : memref<3200x32xf32, #tpu.memory_space<hbm>> -> memref<3200x32xf32, #tpu.memory_space<hbm>>
        %dma_start3A_811 = tpu.memref_slice %arg8[%rem3A_232] : memref<3x!tpu.dma_semaphore, #tpu.memory_space<semaphore_mem>> -> memref<1x!tpu.dma_semaphore, #tpu.memory_space<semaphore_mem>>
        %dma_start3A_812 = tpu.memref_squeeze %dma_start3A_811 : memref<1x!tpu.dma_semaphore, #tpu.memory_space<semaphore_mem>> -> memref<!tpu.dma_semaphore, #tpu.memory_space<semaphore_mem>>
        tpu.enqueue_indirect_dma source(%dma_start3A_810 : memref<3200x32xf32, #tpu.memory_space<hbm>>) target(%dma_start3A_806 : memref<48x32xf32, #tpu.memory_space<vmem>>) offsets(%dma_start3A_807 : memref<48xi32, #tpu.memory_space<vmem>>) semaphore(%dma_start3A_812 : memref<!tpu.dma_semaphore, #tpu.memory_space<semaphore_mem>>)
        %mul3A_813 = arith.constant 400 : i32
        %mul3A_814 = arith.muli %add3A_782, %mul3A_813 : i32
        %add3A_815 = arith.constant 96 : i32
        %add3A_816 = arith.addi %mul3A_814, %add3A_815 : i32
        %dma_start3A_817 = arith.constant 2 : i32
        %dma_start3A_818 = arith.constant 0 : i32
        %dma_start3A_819 = arith.constant 0 : i32
        %dma_start3A_820 = tpu.memref_slice %arg6[%rem3A_232, %dma_start3A_817, %dma_start3A_818, %dma_start3A_819] : memref<3x8x50x32xf32, #tpu.memory_space<vmem>> -> memref<1x1x48x32xf32, #tpu.memory_space<vmem>>
        %dma_start3A_821 = tpu.memref_squeeze %dma_start3A_820 : memref<1x1x48x32xf32, #tpu.memory_space<vmem>> -> memref<48x32xf32, #tpu.memory_space<vmem>>
        %dma_start3A_822 = tpu.memref_slice %arg5[%add3A_816] : memref<25600xi32, #tpu.memory_space<vmem>> -> memref<48xi32, #tpu.memory_space<vmem>>
        %dma_start3A_823 = arith.constant 0 : i32
        %dma_start3A_824 = arith.constant 0 : i32
        %dma_start3A_825 = tpu.memref_slice %arg2[%dma_start3A_823, %dma_start3A_824] : memref<3200x32xf32, #tpu.memory_space<hbm>> -> memref<3200x32xf32, #tpu.memory_space<hbm>>
        %dma_start3A_826 = tpu.memref_slice %arg8[%rem3A_232] : memref<3x!tpu.dma_semaphore, #tpu.memory_space<semaphore_mem>> -> memref<1x!tpu.dma_semaphore, #tpu.memory_space<semaphore_mem>>
        %dma_start3A_827 = tpu.memref_squeeze %dma_start3A_826 : memref<1x!tpu.dma_semaphore, #tpu.memory_space<semaphore_mem>> -> memref<!tpu.dma_semaphore, #tpu.memory_space<semaphore_mem>>
        tpu.enqueue_indirect_dma source(%dma_start3A_825 : memref<3200x32xf32, #tpu.memory_space<hbm>>) target(%dma_start3A_821 : memref<48x32xf32, #tpu.memory_space<vmem>>) offsets(%dma_start3A_822 : memref<48xi32, #tpu.memory_space<vmem>>) semaphore(%dma_start3A_827 : memref<!tpu.dma_semaphore, #tpu.memory_space<semaphore_mem>>)
        %mul3A_828 = arith.constant 400 : i32
        %mul3A_829 = arith.muli %add3A_782, %mul3A_828 : i32
        %add3A_830 = arith.constant 144 : i32
        %add3A_831 = arith.addi %mul3A_829, %add3A_830 : i32
        %dma_start3A_832 = arith.constant 3 : i32
        %dma_start3A_833 = arith.constant 0 : i32
        %dma_start3A_834 = arith.constant 0 : i32
        %dma_start3A_835 = tpu.memref_slice %arg6[%rem3A_232, %dma_start3A_832, %dma_start3A_833, %dma_start3A_834] : memref<3x8x50x32xf32, #tpu.memory_space<vmem>> -> memref<1x1x48x32xf32, #tpu.memory_space<vmem>>
        %dma_start3A_836 = tpu.memref_squeeze %dma_start3A_835 : memref<1x1x48x32xf32, #tpu.memory_space<vmem>> -> memref<48x32xf32, #tpu.memory_space<vmem>>
        %dma_start3A_837 = tpu.memref_slice %arg5[%add3A_831] : memref<25600xi32, #tpu.memory_space<vmem>> -> memref<48xi32, #tpu.memory_space<vmem>>
        %dma_start3A_838 = arith.constant 0 : i32
        %dma_start3A_839 = arith.constant 0 : i32
        %dma_start3A_840 = tpu.memref_slice %arg2[%dma_start3A_838, %dma_start3A_839] : memref<3200x32xf32, #tpu.memory_space<hbm>> -> memref<3200x32xf32, #tpu.memory_space<hbm>>
        %dma_start3A_841 = tpu.memref_slice %arg8[%rem3A_232] : memref<3x!tpu.dma_semaphore, #tpu.memory_space<semaphore_mem>> -> memref<1x!tpu.dma_semaphore, #tpu.memory_space<semaphore_mem>>
        %dma_start3A_842 = tpu.memref_squeeze %dma_start3A_841 : memref<1x!tpu.dma_semaphore, #tpu.memory_space<semaphore_mem>> -> memref<!tpu.dma_semaphore, #tpu.memory_space<semaphore_mem>>
        tpu.enqueue_indirect_dma source(%dma_start3A_840 : memref<3200x32xf32, #tpu.memory_space<hbm>>) target(%dma_start3A_836 : memref<48x32xf32, #tpu.memory_space<vmem>>) offsets(%dma_start3A_837 : memref<48xi32, #tpu.memory_space<vmem>>) semaphore(%dma_start3A_842 : memref<!tpu.dma_semaphore, #tpu.memory_space<semaphore_mem>>)
        %mul3A_843 = arith.constant 400 : i32
        %mul3A_844 = arith.muli %add3A_782, %mul3A_843 : i32
        %add3A_845 = arith.constant 192 : i32
        %add3A_846 = arith.addi %mul3A_844, %add3A_845 : i32
        %dma_start3A_847 = arith.constant 4 : i32
        %dma_start3A_848 = arith.constant 0 : i32
        %dma_start3A_849 = arith.constant 0 : i32
        %dma_start3A_850 = tpu.memref_slice %arg6[%rem3A_232, %dma_start3A_847, %dma_start3A_848, %dma_start3A_849] : memref<3x8x50x32xf32, #tpu.memory_space<vmem>> -> memref<1x1x48x32xf32, #tpu.memory_space<vmem>>
        %dma_start3A_851 = tpu.memref_squeeze %dma_start3A_850 : memref<1x1x48x32xf32, #tpu.memory_space<vmem>> -> memref<48x32xf32, #tpu.memory_space<vmem>>
        %dma_start3A_852 = tpu.memref_slice %arg5[%add3A_846] : memref<25600xi32, #tpu.memory_space<vmem>> -> memref<48xi32, #tpu.memory_space<vmem>>
        %dma_start3A_853 = arith.constant 0 : i32
        %dma_start3A_854 = arith.constant 0 : i32
        %dma_start3A_855 = tpu.memref_slice %arg2[%dma_start3A_853, %dma_start3A_854] : memref<3200x32xf32, #tpu.memory_space<hbm>> -> memref<3200x32xf32, #tpu.memory_space<hbm>>
        %dma_start3A_856 = tpu.memref_slice %arg8[%rem3A_232] : memref<3x!tpu.dma_semaphore, #tpu.memory_space<semaphore_mem>> -> memref<1x!tpu.dma_semaphore, #tpu.memory_space<semaphore_mem>>
        %dma_start3A_857 = tpu.memref_squeeze %dma_start3A_856 : memref<1x!tpu.dma_semaphore, #tpu.memory_space<semaphore_mem>> -> memref<!tpu.dma_semaphore, #tpu.memory_space<semaphore_mem>>
        tpu.enqueue_indirect_dma source(%dma_start3A_855 : memref<3200x32xf32, #tpu.memory_space<hbm>>) target(%dma_start3A_851 : memref<48x32xf32, #tpu.memory_space<vmem>>) offsets(%dma_start3A_852 : memref<48xi32, #tpu.memory_space<vmem>>) semaphore(%dma_start3A_857 : memref<!tpu.dma_semaphore, #tpu.memory_space<semaphore_mem>>)
        %mul3A_858 = arith.constant 400 : i32
        %mul3A_859 = arith.muli %add3A_782, %mul3A_858 : i32
        %add3A_860 = arith.constant 240 : i32
        %add3A_861 = arith.addi %mul3A_859, %add3A_860 : i32
        %dma_start3A_862 = arith.constant 5 : i32
        %dma_start3A_863 = arith.constant 0 : i32
        %dma_start3A_864 = arith.constant 0 : i32
        %dma_start3A_865 = tpu.memref_slice %arg6[%rem3A_232, %dma_start3A_862, %dma_start3A_863, %dma_start3A_864] : memref<3x8x50x32xf32, #tpu.memory_space<vmem>> -> memref<1x1x48x32xf32, #tpu.memory_space<vmem>>
        %dma_start3A_866 = tpu.memref_squeeze %dma_start3A_865 : memref<1x1x48x32xf32, #tpu.memory_space<vmem>> -> memref<48x32xf32, #tpu.memory_space<vmem>>
        %dma_start3A_867 = tpu.memref_slice %arg5[%add3A_861] : memref<25600xi32, #tpu.memory_space<vmem>> -> memref<48xi32, #tpu.memory_space<vmem>>
        %dma_start3A_868 = arith.constant 0 : i32
        %dma_start3A_869 = arith.constant 0 : i32
        %dma_start3A_870 = tpu.memref_slice %arg2[%dma_start3A_868, %dma_start3A_869] : memref<3200x32xf32, #tpu.memory_space<hbm>> -> memref<3200x32xf32, #tpu.memory_space<hbm>>
        %dma_start3A_871 = tpu.memref_slice %arg8[%rem3A_232] : memref<3x!tpu.dma_semaphore, #tpu.memory_space<semaphore_mem>> -> memref<1x!tpu.dma_semaphore, #tpu.memory_space<semaphore_mem>>
        %dma_start3A_872 = tpu.memref_squeeze %dma_start3A_871 : memref<1x!tpu.dma_semaphore, #tpu.memory_space<semaphore_mem>> -> memref<!tpu.dma_semaphore, #tpu.memory_space<semaphore_mem>>
        tpu.enqueue_indirect_dma source(%dma_start3A_870 : memref<3200x32xf32, #tpu.memory_space<hbm>>) target(%dma_start3A_866 : memref<48x32xf32, #tpu.memory_space<vmem>>) offsets(%dma_start3A_867 : memref<48xi32, #tpu.memory_space<vmem>>) semaphore(%dma_start3A_872 : memref<!tpu.dma_semaphore, #tpu.memory_space<semaphore_mem>>)
        %mul3A_873 = arith.constant 400 : i32
        %mul3A_874 = arith.muli %add3A_782, %mul3A_873 : i32
        %add3A_875 = arith.constant 288 : i32
        %add3A_876 = arith.addi %mul3A_874, %add3A_875 : i32
        %dma_start3A_877 = arith.constant 6 : i32
        %dma_start3A_878 = arith.constant 0 : i32
        %dma_start3A_879 = arith.constant 0 : i32
        %dma_start3A_880 = tpu.memref_slice %arg6[%rem3A_232, %dma_start3A_877, %dma_start3A_878, %dma_start3A_879] : memref<3x8x50x32xf32, #tpu.memory_space<vmem>> -> memref<1x1x48x32xf32, #tpu.memory_space<vmem>>
        %dma_start3A_881 = tpu.memref_squeeze %dma_start3A_880 : memref<1x1x48x32xf32, #tpu.memory_space<vmem>> -> memref<48x32xf32, #tpu.memory_space<vmem>>
        %dma_start3A_882 = tpu.memref_slice %arg5[%add3A_876] : memref<25600xi32, #tpu.memory_space<vmem>> -> memref<48xi32, #tpu.memory_space<vmem>>
        %dma_start3A_883 = arith.constant 0 : i32
        %dma_start3A_884 = arith.constant 0 : i32
        %dma_start3A_885 = tpu.memref_slice %arg2[%dma_start3A_883, %dma_start3A_884] : memref<3200x32xf32, #tpu.memory_space<hbm>> -> memref<3200x32xf32, #tpu.memory_space<hbm>>
        %dma_start3A_886 = tpu.memref_slice %arg8[%rem3A_232] : memref<3x!tpu.dma_semaphore, #tpu.memory_space<semaphore_mem>> -> memref<1x!tpu.dma_semaphore, #tpu.memory_space<semaphore_mem>>
        %dma_start3A_887 = tpu.memref_squeeze %dma_start3A_886 : memref<1x!tpu.dma_semaphore, #tpu.memory_space<semaphore_mem>> -> memref<!tpu.dma_semaphore, #tpu.memory_space<semaphore_mem>>
        tpu.enqueue_indirect_dma source(%dma_start3A_885 : memref<3200x32xf32, #tpu.memory_space<hbm>>) target(%dma_start3A_881 : memref<48x32xf32, #tpu.memory_space<vmem>>) offsets(%dma_start3A_882 : memref<48xi32, #tpu.memory_space<vmem>>) semaphore(%dma_start3A_887 : memref<!tpu.dma_semaphore, #tpu.memory_space<semaphore_mem>>)
        %mul3A_888 = arith.constant 400 : i32
        %mul3A_889 = arith.muli %add3A_782, %mul3A_888 : i32
        %add3A_890 = arith.constant 336 : i32
        %add3A_891 = arith.addi %mul3A_889, %add3A_890 : i32
        %dma_start3A_892 = arith.constant 7 : i32
        %dma_start3A_893 = arith.constant 0 : i32
        %dma_start3A_894 = arith.constant 0 : i32
        %dma_start3A_895 = tpu.memref_slice %arg6[%rem3A_232, %dma_start3A_892, %dma_start3A_893, %dma_start3A_894] : memref<3x8x50x32xf32, #tpu.memory_space<vmem>> -> memref<1x1x48x32xf32, #tpu.memory_space<vmem>>
        %dma_start3A_896 = tpu.memref_squeeze %dma_start3A_895 : memref<1x1x48x32xf32, #tpu.memory_space<vmem>> -> memref<48x32xf32, #tpu.memory_space<vmem>>
        %dma_start3A_897 = tpu.memref_slice %arg5[%add3A_891] : memref<25600xi32, #tpu.memory_space<vmem>> -> memref<48xi32, #tpu.memory_space<vmem>>
        %dma_start3A_898 = arith.constant 0 : i32
        %dma_start3A_899 = arith.constant 0 : i32
        %dma_start3A_900 = tpu.memref_slice %arg2[%dma_start3A_898, %dma_start3A_899] : memref<3200x32xf32, #tpu.memory_space<hbm>> -> memref<3200x32xf32, #tpu.memory_space<hbm>>
        %dma_start3A_901 = tpu.memref_slice %arg8[%rem3A_232] : memref<3x!tpu.dma_semaphore, #tpu.memory_space<semaphore_mem>> -> memref<1x!tpu.dma_semaphore, #tpu.memory_space<semaphore_mem>>
        %dma_start3A_902 = tpu.memref_squeeze %dma_start3A_901 : memref<1x!tpu.dma_semaphore, #tpu.memory_space<semaphore_mem>> -> memref<!tpu.dma_semaphore, #tpu.memory_space<semaphore_mem>>
        tpu.enqueue_indirect_dma source(%dma_start3A_900 : memref<3200x32xf32, #tpu.memory_space<hbm>>) target(%dma_start3A_896 : memref<48x32xf32, #tpu.memory_space<vmem>>) offsets(%dma_start3A_897 : memref<48xi32, #tpu.memory_space<vmem>>) semaphore(%dma_start3A_902 : memref<!tpu.dma_semaphore, #tpu.memory_space<semaphore_mem>>)
        %mul3A_903 = arith.constant 400 : i32
        %mul3A_904 = arith.muli %add3A_782, %mul3A_903 : i32
        %add3A_905 = arith.constant 384 : i32
        %add3A_906 = arith.addi %mul3A_904, %add3A_905 : i32
        %dma_start3A_907 = arith.constant 0 : i32
        %dma_start3A_908 = arith.constant 0 : i32
        %dma_start3A_909 = tpu.memref_slice %arg7[%rem3A_232, %dma_start3A_907, %dma_start3A_908] : memref<3x16x32xf32, #tpu.memory_space<vmem>> -> memref<1x16x32xf32, #tpu.memory_space<vmem>>
        %dma_start3A_910 = tpu.memref_squeeze %dma_start3A_909 : memref<1x16x32xf32, #tpu.memory_space<vmem>> -> memref<16x32xf32, #tpu.memory_space<vmem>>
        %dma_start3A_911 = tpu.memref_slice %arg5[%add3A_906] : memref<25600xi32, #tpu.memory_space<vmem>> -> memref<16xi32, #tpu.memory_space<vmem>>
        %dma_start3A_912 = arith.constant 0 : i32
        %dma_start3A_913 = arith.constant 0 : i32
        %dma_start3A_914 = tpu.memref_slice %arg2[%dma_start3A_912, %dma_start3A_913] : memref<3200x32xf32, #tpu.memory_space<hbm>> -> memref<3200x32xf32, #tpu.memory_space<hbm>>
        %dma_start3A_915 = tpu.memref_slice %arg8[%rem3A_232] : memref<3x!tpu.dma_semaphore, #tpu.memory_space<semaphore_mem>> -> memref<1x!tpu.dma_semaphore, #tpu.memory_space<semaphore_mem>>
        %dma_start3A_916 = tpu.memref_squeeze %dma_start3A_915 : memref<1x!tpu.dma_semaphore, #tpu.memory_space<semaphore_mem>> -> memref<!tpu.dma_semaphore, #tpu.memory_space<semaphore_mem>>
        tpu.enqueue_indirect_dma source(%dma_start3A_914 : memref<3200x32xf32, #tpu.memory_space<hbm>>) target(%dma_start3A_910 : memref<16x32xf32, #tpu.memory_space<vmem>>) offsets(%dma_start3A_911 : memref<16xi32, #tpu.memory_space<vmem>>) semaphore(%dma_start3A_916 : memref<!tpu.dma_semaphore, #tpu.memory_space<semaphore_mem>>)
      } else {
      }
      %dma_wait3A_248 = arith.constant 0 : i32
      %dma_wait3A_249 = arith.constant 0 : i32
      %dma_wait3A_250 = arith.constant 0 : i32
      %dma_wait3A_251 = tpu.memref_slice %arg6[%rem3A_228, %dma_wait3A_248, %dma_wait3A_249, %dma_wait3A_250] : memref<3x8x50x32xf32, #tpu.memory_space<vmem>> -> memref<1x8x48x32xf32, #tpu.memory_space<vmem>>
      %dma_wait3A_252 = tpu.memref_squeeze %dma_wait3A_251 : memref<1x8x48x32xf32, #tpu.memory_space<vmem>> -> memref<8x48x32xf32, #tpu.memory_space<vmem>>
      %dma_wait3A_253 = arith.constant 0 : i32
      %dma_wait3A_254 = arith.constant 0 : i32
      %dma_wait3A_255 = tpu.memref_slice %arg4[%mul3A_2, %dma_wait3A_253, %dma_wait3A_254] : memref<16384x50x32xf32, #tpu.memory_space<hbm>> -> memref<8x48x32xf32, #tpu.memory_space<hbm>>
      %dma_wait3A_256 = tpu.memref_slice %arg8[%rem3A_228] : memref<3x!tpu.dma_semaphore, #tpu.memory_space<semaphore_mem>> -> memref<1x!tpu.dma_semaphore, #tpu.memory_space<semaphore_mem>>
      %dma_wait3A_257 = tpu.memref_squeeze %dma_wait3A_256 : memref<1x!tpu.dma_semaphore, #tpu.memory_space<semaphore_mem>> -> memref<!tpu.dma_semaphore, #tpu.memory_space<semaphore_mem>>
      %dma_wait3A_258 = arith.constant 0 : i32
      %dma_wait3A_259 = arith.constant 0 : i32
      %dma_wait3A_260 = arith.constant 0 : i32
      %dma_wait3A_261 = tpu.memref_slice %arg6[%rem3A_228, %dma_wait3A_258, %dma_wait3A_259, %dma_wait3A_260] : memref<3x8x50x32xf32, #tpu.memory_space<vmem>> -> memref<1x8x48x32xf32, #tpu.memory_space<vmem>>
      %dma_wait3A_262 = tpu.memref_squeeze %dma_wait3A_261 : memref<1x8x48x32xf32, #tpu.memory_space<vmem>> -> memref<8x48x32xf32, #tpu.memory_space<vmem>>
      %dma_wait3A_263 = arith.constant 0 : i32
      %dma_wait3A_264 = arith.constant 0 : i32
      %dma_wait3A_265 = tpu.memref_slice %arg4[%mul3A_2, %dma_wait3A_263, %dma_wait3A_264] : memref<16384x50x32xf32, #tpu.memory_space<hbm>> -> memref<8x48x32xf32, #tpu.memory_space<hbm>>
      tpu.wait_dma2 semaphore(%dma_wait3A_257 : memref<!tpu.dma_semaphore, #tpu.memory_space<semaphore_mem>>) src(%dma_wait3A_265 : memref<8x48x32xf32, #tpu.memory_space<hbm>>) dst(%dma_wait3A_262 : memref<8x48x32xf32, #tpu.memory_space<vmem>>)
      %dma_wait3A_266 = arith.constant 0 : i32
      %dma_wait3A_267 = arith.constant 0 : i32
      %dma_wait3A_268 = tpu.memref_slice %arg7[%rem3A_228, %dma_wait3A_266, %dma_wait3A_267] : memref<3x16x32xf32, #tpu.memory_space<vmem>> -> memref<1x16x32xf32, #tpu.memory_space<vmem>>
      %dma_wait3A_269 = tpu.memref_squeeze %dma_wait3A_268 : memref<1x16x32xf32, #tpu.memory_space<vmem>> -> memref<16x32xf32, #tpu.memory_space<vmem>>
      %dma_wait3A_270 = arith.constant 0 : i32
      %dma_wait3A_271 = arith.constant 0 : i32
      %dma_wait3A_272 = tpu.memref_slice %arg4[%mul3A_2, %dma_wait3A_270, %dma_wait3A_271] : memref<16384x50x32xf32, #tpu.memory_space<hbm>> -> memref<1x16x32xf32, #tpu.memory_space<hbm>>
      %dma_wait3A_273 = tpu.memref_slice %arg8[%rem3A_228] : memref<3x!tpu.dma_semaphore, #tpu.memory_space<semaphore_mem>> -> memref<1x!tpu.dma_semaphore, #tpu.memory_space<semaphore_mem>>
      %dma_wait3A_274 = tpu.memref_squeeze %dma_wait3A_273 : memref<1x!tpu.dma_semaphore, #tpu.memory_space<semaphore_mem>> -> memref<!tpu.dma_semaphore, #tpu.memory_space<semaphore_mem>>
      %dma_wait3A_275 = arith.constant 0 : i32
      %dma_wait3A_276 = arith.constant 0 : i32
      %dma_wait3A_277 = tpu.memref_slice %arg7[%rem3A_228, %dma_wait3A_275, %dma_wait3A_276] : memref<3x16x32xf32, #tpu.memory_space<vmem>> -> memref<1x16x32xf32, #tpu.memory_space<vmem>>
      %dma_wait3A_278 = tpu.memref_squeeze %dma_wait3A_277 : memref<1x16x32xf32, #tpu.memory_space<vmem>> -> memref<16x32xf32, #tpu.memory_space<vmem>>
      %dma_wait3A_279 = arith.constant 0 : i32
      %dma_wait3A_280 = arith.constant 0 : i32
      %dma_wait3A_281 = tpu.memref_slice %arg4[%mul3A_2, %dma_wait3A_279, %dma_wait3A_280] : memref<16384x50x32xf32, #tpu.memory_space<hbm>> -> memref<1x16x32xf32, #tpu.memory_space<hbm>>
      tpu.wait_dma2 semaphore(%dma_wait3A_274 : memref<!tpu.dma_semaphore, #tpu.memory_space<semaphore_mem>>) src(%dma_wait3A_281 : memref<1x16x32xf32, #tpu.memory_space<hbm>>) dst(%dma_wait3A_278 : memref<16x32xf32, #tpu.memory_space<vmem>>)
      %get3A = arith.constant 0 : i32
      %get3A_282 = arith.index_cast %rem3A_228 : i32 to index
      %get3A_283 = arith.index_cast %get3A : i32 to index
      %get3A_284 = arith.constant 0 : index
      %get3A_285 = tpu.vector_load %arg7[%get3A_282, %get3A_283, %get3A_284] {strides = array<i32>} : memref<3x16x32xf32, #tpu.memory_space<vmem>>, vector<1x1x16xf32>,
      %get3A_286 = vector.shape_cast %get3A_285 : vector<1x1x16xf32> to vector<16xf32>
      %swap3A = arith.constant 0 : i32
      %swap3A_287 = arith.constant 48 : i32
      %swap3A_288 = arith.index_cast %rem3A_228 : i32 to index
      %swap3A_289 = arith.index_cast %swap3A : i32 to index
      %swap3A_290 = arith.index_cast %swap3A_287 : i32 to index
      %swap3A_291 = arith.constant 0 : index
      %swap3A_292 = tpu.vector_load %arg6[%swap3A_288, %swap3A_289, %swap3A_290, %swap3A_291] {strides = array<i32>} : memref<3x8x50x32xf32, #tpu.memory_space<vmem>>, vector<1x1x1x16xf32>,
      %swap3A_293 = vector.shape_cast %swap3A_292 : vector<1x1x1x16xf32> to vector<16xf32>
      %swap3A_294 = vector.shape_cast %get3A_286 : vector<16xf32> to vector<1x1x1x16xf32>
      tpu.vector_store %arg6[%swap3A_288, %swap3A_289, %swap3A_290, %swap3A_291], %swap3A_294 {strides = array<i32>} : memref<3x8x50x32xf32, #tpu.memory_space<vmem>>, vector<1x1x1x16xf32>,
      %get3A_295 = arith.constant 0 : i32
      %get3A_296 = arith.index_cast %rem3A_228 : i32 to index
      %get3A_297 = arith.index_cast %get3A_295 : i32 to index
      %get3A_298 = arith.constant 16 : index
      %get3A_299 = tpu.vector_load %arg7[%get3A_296, %get3A_297, %get3A_298] {strides = array<i32>} : memref<3x16x32xf32, #tpu.memory_space<vmem>>, vector<1x1x16xf32>,
      %get3A_300 = vector.shape_cast %get3A_299 : vector<1x1x16xf32> to vector<16xf32>
      %swap3A_301 = arith.constant 0 : i32
      %swap3A_302 = arith.constant 48 : i32
      %swap3A_303 = arith.index_cast %rem3A_228 : i32 to index
      %swap3A_304 = arith.index_cast %swap3A_301 : i32 to index
      %swap3A_305 = arith.index_cast %swap3A_302 : i32 to index
      %swap3A_306 = arith.constant 16 : index
      %swap3A_307 = tpu.vector_load %arg6[%swap3A_303, %swap3A_304, %swap3A_305, %swap3A_306] {strides = array<i32>} : memref<3x8x50x32xf32, #tpu.memory_space<vmem>>, vector<1x1x1x16xf32>,
      %swap3A_308 = vector.shape_cast %swap3A_307 : vector<1x1x1x16xf32> to vector<16xf32>
      %swap3A_309 = vector.shape_cast %get3A_300 : vector<16xf32> to vector<1x1x1x16xf32>
      tpu.vector_store %arg6[%swap3A_303, %swap3A_304, %swap3A_305, %swap3A_306], %swap3A_309 {strides = array<i32>} : memref<3x8x50x32xf32, #tpu.memory_space<vmem>>, vector<1x1x1x16xf32>,
      %get3A_310 = arith.constant 1 : i32
      %get3A_311 = arith.index_cast %rem3A_228 : i32 to index
      %get3A_312 = arith.index_cast %get3A_310 : i32 to index
      %get3A_313 = arith.constant 0 : index
      %get3A_314 = tpu.vector_load %arg7[%get3A_311, %get3A_312, %get3A_313] {strides = array<i32>} : memref<3x16x32xf32, #tpu.memory_space<vmem>>, vector<1x1x16xf32>,
      %get3A_315 = vector.shape_cast %get3A_314 : vector<1x1x16xf32> to vector<16xf32>
      %swap3A_316 = arith.constant 0 : i32
      %swap3A_317 = arith.constant 49 : i32
      %swap3A_318 = arith.index_cast %rem3A_228 : i32 to index
      %swap3A_319 = arith.index_cast %swap3A_316 : i32 to index
      %swap3A_320 = arith.index_cast %swap3A_317 : i32 to index
      %swap3A_321 = arith.constant 0 : index
      %swap3A_322 = tpu.vector_load %arg6[%swap3A_318, %swap3A_319, %swap3A_320, %swap3A_321] {strides = array<i32>} : memref<3x8x50x32xf32, #tpu.memory_space<vmem>>, vector<1x1x1x16xf32>,
      %swap3A_323 = vector.shape_cast %swap3A_322 : vector<1x1x1x16xf32> to vector<16xf32>
      %swap3A_324 = vector.shape_cast %get3A_315 : vector<16xf32> to vector<1x1x1x16xf32>
      tpu.vector_store %arg6[%swap3A_318, %swap3A_319, %swap3A_320, %swap3A_321], %swap3A_324 {strides = array<i32>} : memref<3x8x50x32xf32, #tpu.memory_space<vmem>>, vector<1x1x1x16xf32>,
      %get3A_325 = arith.constant 1 : i32
      %get3A_326 = arith.index_cast %rem3A_228 : i32 to index
      %get3A_327 = arith.index_cast %get3A_325 : i32 to index
      %get3A_328 = arith.constant 16 : index
      %get3A_329 = tpu.vector_load %arg7[%get3A_326, %get3A_327, %get3A_328] {strides = array<i32>} : memref<3x16x32xf32, #tpu.memory_space<vmem>>, vector<1x1x16xf32>,
      %get3A_330 = vector.shape_cast %get3A_329 : vector<1x1x16xf32> to vector<16xf32>
      %swap3A_331 = arith.constant 0 : i32
      %swap3A_332 = arith.constant 49 : i32
      %swap3A_333 = arith.index_cast %rem3A_228 : i32 to index
      %swap3A_334 = arith.index_cast %swap3A_331 : i32 to index
      %swap3A_335 = arith.index_cast %swap3A_332 : i32 to index
      %swap3A_336 = arith.constant 16 : index
      %swap3A_337 = tpu.vector_load %arg6[%swap3A_333, %swap3A_334, %swap3A_335, %swap3A_336] {strides = array<i32>} : memref<3x8x50x32xf32, #tpu.memory_space<vmem>>, vector<1x1x1x16xf32>,
      %swap3A_338 = vector.shape_cast %swap3A_337 : vector<1x1x1x16xf32> to vector<16xf32>
      %swap3A_339 = vector.shape_cast %get3A_330 : vector<16xf32> to vector<1x1x1x16xf32>
      tpu.vector_store %arg6[%swap3A_333, %swap3A_334, %swap3A_335, %swap3A_336], %swap3A_339 {strides = array<i32>} : memref<3x8x50x32xf32, #tpu.memory_space<vmem>>, vector<1x1x1x16xf32>,
      %get3A_340 = arith.constant 2 : i32
      %get3A_341 = arith.index_cast %rem3A_228 : i32 to index
      %get3A_342 = arith.index_cast %get3A_340 : i32 to index
      %get3A_343 = arith.constant 0 : index
      %get3A_344 = tpu.vector_load %arg7[%get3A_341, %get3A_342, %get3A_343] {strides = array<i32>} : memref<3x16x32xf32, #tpu.memory_space<vmem>>, vector<1x1x16xf32>,
      %get3A_345 = vector.shape_cast %get3A_344 : vector<1x1x16xf32> to vector<16xf32>
      %swap3A_346 = arith.constant 1 : i32
      %swap3A_347 = arith.constant 48 : i32
      %swap3A_348 = arith.index_cast %rem3A_228 : i32 to index
      %swap3A_349 = arith.index_cast %swap3A_346 : i32 to index
      %swap3A_350 = arith.index_cast %swap3A_347 : i32 to index
      %swap3A_351 = arith.constant 0 : index
      %swap3A_352 = tpu.vector_load %arg6[%swap3A_348, %swap3A_349, %swap3A_350, %swap3A_351] {strides = array<i32>} : memref<3x8x50x32xf32, #tpu.memory_space<vmem>>, vector<1x1x1x16xf32>,
      %swap3A_353 = vector.shape_cast %swap3A_352 : vector<1x1x1x16xf32> to vector<16xf32>
      %swap3A_354 = vector.shape_cast %get3A_345 : vector<16xf32> to vector<1x1x1x16xf32>
      tpu.vector_store %arg6[%swap3A_348, %swap3A_349, %swap3A_350, %swap3A_351], %swap3A_354 {strides = array<i32>} : memref<3x8x50x32xf32, #tpu.memory_space<vmem>>, vector<1x1x1x16xf32>,
      %get3A_355 = arith.constant 2 : i32
      %get3A_356 = arith.index_cast %rem3A_228 : i32 to index
      %get3A_357 = arith.index_cast %get3A_355 : i32 to index
      %get3A_358 = arith.constant 16 : index
      %get3A_359 = tpu.vector_load %arg7[%get3A_356, %get3A_357, %get3A_358] {strides = array<i32>} : memref<3x16x32xf32, #tpu.memory_space<vmem>>, vector<1x1x16xf32>,
      %get3A_360 = vector.shape_cast %get3A_359 : vector<1x1x16xf32> to vector<16xf32>
      %swap3A_361 = arith.constant 1 : i32
      %swap3A_362 = arith.constant 48 : i32
      %swap3A_363 = arith.index_cast %rem3A_228 : i32 to index
      %swap3A_364 = arith.index_cast %swap3A_361 : i32 to index
      %swap3A_365 = arith.index_cast %swap3A_362 : i32 to index
      %swap3A_366 = arith.constant 16 : index
      %swap3A_367 = tpu.vector_load %arg6[%swap3A_363, %swap3A_364, %swap3A_365, %swap3A_366] {strides = array<i32>} : memref<3x8x50x32xf32, #tpu.memory_space<vmem>>, vector<1x1x1x16xf32>,
      %swap3A_368 = vector.shape_cast %swap3A_367 : vector<1x1x1x16xf32> to vector<16xf32>
      %swap3A_369 = vector.shape_cast %get3A_360 : vector<16xf32> to vector<1x1x1x16xf32>
      tpu.vector_store %arg6[%swap3A_363, %swap3A_364, %swap3A_365, %swap3A_366], %swap3A_369 {strides = array<i32>} : memref<3x8x50x32xf32, #tpu.memory_space<vmem>>, vector<1x1x1x16xf32>,
      %get3A_370 = arith.constant 3 : i32
      %get3A_371 = arith.index_cast %rem3A_228 : i32 to index
      %get3A_372 = arith.index_cast %get3A_370 : i32 to index
      %get3A_373 = arith.constant 0 : index
      %get3A_374 = tpu.vector_load %arg7[%get3A_371, %get3A_372, %get3A_373] {strides = array<i32>} : memref<3x16x32xf32, #tpu.memory_space<vmem>>, vector<1x1x16xf32>,
      %get3A_375 = vector.shape_cast %get3A_374 : vector<1x1x16xf32> to vector<16xf32>
      %swap3A_376 = arith.constant 1 : i32
      %swap3A_377 = arith.constant 49 : i32
      %swap3A_378 = arith.index_cast %rem3A_228 : i32 to index
      %swap3A_379 = arith.index_cast %swap3A_376 : i32 to index
      %swap3A_380 = arith.index_cast %swap3A_377 : i32 to index
      %swap3A_381 = arith.constant 0 : index
      %swap3A_382 = tpu.vector_load %arg6[%swap3A_378, %swap3A_379, %swap3A_380, %swap3A_381] {strides = array<i32>} : memref<3x8x50x32xf32, #tpu.memory_space<vmem>>, vector<1x1x1x16xf32>,
      %swap3A_383 = vector.shape_cast %swap3A_382 : vector<1x1x1x16xf32> to vector<16xf32>
      %swap3A_384 = vector.shape_cast %get3A_375 : vector<16xf32> to vector<1x1x1x16xf32>
      tpu.vector_store %arg6[%swap3A_378, %swap3A_379, %swap3A_380, %swap3A_381], %swap3A_384 {strides = array<i32>} : memref<3x8x50x32xf32, #tpu.memory_space<vmem>>, vector<1x1x1x16xf32>,
      %get3A_385 = arith.constant 3 : i32
      %get3A_386 = arith.index_cast %rem3A_228 : i32 to index
      %get3A_387 = arith.index_cast %get3A_385 : i32 to index
      %get3A_388 = arith.constant 16 : index
      %get3A_389 = tpu.vector_load %arg7[%get3A_386, %get3A_387, %get3A_388] {strides = array<i32>} : memref<3x16x32xf32, #tpu.memory_space<vmem>>, vector<1x1x16xf32>,
      %get3A_390 = vector.shape_cast %get3A_389 : vector<1x1x16xf32> to vector<16xf32>
      %swap3A_391 = arith.constant 1 : i32
      %swap3A_392 = arith.constant 49 : i32
      %swap3A_393 = arith.index_cast %rem3A_228 : i32 to index
      %swap3A_394 = arith.index_cast %swap3A_391 : i32 to index
      %swap3A_395 = arith.index_cast %swap3A_392 : i32 to index
      %swap3A_396 = arith.constant 16 : index
      %swap3A_397 = tpu.vector_load %arg6[%swap3A_393, %swap3A_394, %swap3A_395, %swap3A_396] {strides = array<i32>} : memref<3x8x50x32xf32, #tpu.memory_space<vmem>>, vector<1x1x1x16xf32>,
      %swap3A_398 = vector.shape_cast %swap3A_397 : vector<1x1x1x16xf32> to vector<16xf32>
      %swap3A_399 = vector.shape_cast %get3A_390 : vector<16xf32> to vector<1x1x1x16xf32>
      tpu.vector_store %arg6[%swap3A_393, %swap3A_394, %swap3A_395, %swap3A_396], %swap3A_399 {strides = array<i32>} : memref<3x8x50x32xf32, #tpu.memory_space<vmem>>, vector<1x1x1x16xf32>,
      %get3A_400 = arith.constant 4 : i32
      %get3A_401 = arith.index_cast %rem3A_228 : i32 to index
      %get3A_402 = arith.index_cast %get3A_400 : i32 to index
      %get3A_403 = arith.constant 0 : index
      %get3A_404 = tpu.vector_load %arg7[%get3A_401, %get3A_402, %get3A_403] {strides = array<i32>} : memref<3x16x32xf32, #tpu.memory_space<vmem>>, vector<1x1x16xf32>,
      %get3A_405 = vector.shape_cast %get3A_404 : vector<1x1x16xf32> to vector<16xf32>
      %swap3A_406 = arith.constant 2 : i32
      %swap3A_407 = arith.constant 48 : i32
      %swap3A_408 = arith.index_cast %rem3A_228 : i32 to index
      %swap3A_409 = arith.index_cast %swap3A_406 : i32 to index
      %swap3A_410 = arith.index_cast %swap3A_407 : i32 to index
      %swap3A_411 = arith.constant 0 : index
      %swap3A_412 = tpu.vector_load %arg6[%swap3A_408, %swap3A_409, %swap3A_410, %swap3A_411] {strides = array<i32>} : memref<3x8x50x32xf32, #tpu.memory_space<vmem>>, vector<1x1x1x16xf32>,
      %swap3A_413 = vector.shape_cast %swap3A_412 : vector<1x1x1x16xf32> to vector<16xf32>
      %swap3A_414 = vector.shape_cast %get3A_405 : vector<16xf32> to vector<1x1x1x16xf32>
      tpu.vector_store %arg6[%swap3A_408, %swap3A_409, %swap3A_410, %swap3A_411], %swap3A_414 {strides = array<i32>} : memref<3x8x50x32xf32, #tpu.memory_space<vmem>>, vector<1x1x1x16xf32>,
      %get3A_415 = arith.constant 4 : i32
      %get3A_416 = arith.index_cast %rem3A_228 : i32 to index
      %get3A_417 = arith.index_cast %get3A_415 : i32 to index
      %get3A_418 = arith.constant 16 : index
      %get3A_419 = tpu.vector_load %arg7[%get3A_416, %get3A_417, %get3A_418] {strides = array<i32>} : memref<3x16x32xf32, #tpu.memory_space<vmem>>, vector<1x1x16xf32>,
      %get3A_420 = vector.shape_cast %get3A_419 : vector<1x1x16xf32> to vector<16xf32>
      %swap3A_421 = arith.constant 2 : i32
      %swap3A_422 = arith.constant 48 : i32
      %swap3A_423 = arith.index_cast %rem3A_228 : i32 to index
      %swap3A_424 = arith.index_cast %swap3A_421 : i32 to index
      %swap3A_425 = arith.index_cast %swap3A_422 : i32 to index
      %swap3A_426 = arith.constant 16 : index
      %swap3A_427 = tpu.vector_load %arg6[%swap3A_423, %swap3A_424, %swap3A_425, %swap3A_426] {strides = array<i32>} : memref<3x8x50x32xf32, #tpu.memory_space<vmem>>, vector<1x1x1x16xf32>,
      %swap3A_428 = vector.shape_cast %swap3A_427 : vector<1x1x1x16xf32> to vector<16xf32>
      %swap3A_429 = vector.shape_cast %get3A_420 : vector<16xf32> to vector<1x1x1x16xf32>
      tpu.vector_store %arg6[%swap3A_423, %swap3A_424, %swap3A_425, %swap3A_426], %swap3A_429 {strides = array<i32>} : memref<3x8x50x32xf32, #tpu.memory_space<vmem>>, vector<1x1x1x16xf32>,
      %get3A_430 = arith.constant 5 : i32
      %get3A_431 = arith.index_cast %rem3A_228 : i32 to index
      %get3A_432 = arith.index_cast %get3A_430 : i32 to index
      %get3A_433 = arith.constant 0 : index
      %get3A_434 = tpu.vector_load %arg7[%get3A_431, %get3A_432, %get3A_433] {strides = array<i32>} : memref<3x16x32xf32, #tpu.memory_space<vmem>>, vector<1x1x16xf32>,
      %get3A_435 = vector.shape_cast %get3A_434 : vector<1x1x16xf32> to vector<16xf32>
      %swap3A_436 = arith.constant 2 : i32
      %swap3A_437 = arith.constant 49 : i32
      %swap3A_438 = arith.index_cast %rem3A_228 : i32 to index
      %swap3A_439 = arith.index_cast %swap3A_436 : i32 to index
      %swap3A_440 = arith.index_cast %swap3A_437 : i32 to index
      %swap3A_441 = arith.constant 0 : index
      %swap3A_442 = tpu.vector_load %arg6[%swap3A_438, %swap3A_439, %swap3A_440, %swap3A_441] {strides = array<i32>} : memref<3x8x50x32xf32, #tpu.memory_space<vmem>>, vector<1x1x1x16xf32>,
      %swap3A_443 = vector.shape_cast %swap3A_442 : vector<1x1x1x16xf32> to vector<16xf32>
      %swap3A_444 = vector.shape_cast %get3A_435 : vector<16xf32> to vector<1x1x1x16xf32>
      tpu.vector_store %arg6[%swap3A_438, %swap3A_439, %swap3A_440, %swap3A_441], %swap3A_444 {strides = array<i32>} : memref<3x8x50x32xf32, #tpu.memory_space<vmem>>, vector<1x1x1x16xf32>,
      %get3A_445 = arith.constant 5 : i32
      %get3A_446 = arith.index_cast %rem3A_228 : i32 to index
      %get3A_447 = arith.index_cast %get3A_445 : i32 to index
      %get3A_448 = arith.constant 16 : index
      %get3A_449 = tpu.vector_load %arg7[%get3A_446, %get3A_447, %get3A_448] {strides = array<i32>} : memref<3x16x32xf32, #tpu.memory_space<vmem>>, vector<1x1x16xf32>,
      %get3A_450 = vector.shape_cast %get3A_449 : vector<1x1x16xf32> to vector<16xf32>
      %swap3A_451 = arith.constant 2 : i32
      %swap3A_452 = arith.constant 49 : i32
      %swap3A_453 = arith.index_cast %rem3A_228 : i32 to index
      %swap3A_454 = arith.index_cast %swap3A_451 : i32 to index
      %swap3A_455 = arith.index_cast %swap3A_452 : i32 to index
      %swap3A_456 = arith.constant 16 : index
      %swap3A_457 = tpu.vector_load %arg6[%swap3A_453, %swap3A_454, %swap3A_455, %swap3A_456] {strides = array<i32>} : memref<3x8x50x32xf32, #tpu.memory_space<vmem>>, vector<1x1x1x16xf32>,
      %swap3A_458 = vector.shape_cast %swap3A_457 : vector<1x1x1x16xf32> to vector<16xf32>
      %swap3A_459 = vector.shape_cast %get3A_450 : vector<16xf32> to vector<1x1x1x16xf32>
      tpu.vector_store %arg6[%swap3A_453, %swap3A_454, %swap3A_455, %swap3A_456], %swap3A_459 {strides = array<i32>} : memref<3x8x50x32xf32, #tpu.memory_space<vmem>>, vector<1x1x1x16xf32>,
      %get3A_460 = arith.constant 6 : i32
      %get3A_461 = arith.index_cast %rem3A_228 : i32 to index
      %get3A_462 = arith.index_cast %get3A_460 : i32 to index
      %get3A_463 = arith.constant 0 : index
      %get3A_464 = tpu.vector_load %arg7[%get3A_461, %get3A_462, %get3A_463] {strides = array<i32>} : memref<3x16x32xf32, #tpu.memory_space<vmem>>, vector<1x1x16xf32>,
      %get3A_465 = vector.shape_cast %get3A_464 : vector<1x1x16xf32> to vector<16xf32>
      %swap3A_466 = arith.constant 3 : i32
      %swap3A_467 = arith.constant 48 : i32
      %swap3A_468 = arith.index_cast %rem3A_228 : i32 to index
      %swap3A_469 = arith.index_cast %swap3A_466 : i32 to index
      %swap3A_470 = arith.index_cast %swap3A_467 : i32 to index
      %swap3A_471 = arith.constant 0 : index
      %swap3A_472 = tpu.vector_load %arg6[%swap3A_468, %swap3A_469, %swap3A_470, %swap3A_471] {strides = array<i32>} : memref<3x8x50x32xf32, #tpu.memory_space<vmem>>, vector<1x1x1x16xf32>,
      %swap3A_473 = vector.shape_cast %swap3A_472 : vector<1x1x1x16xf32> to vector<16xf32>
      %swap3A_474 = vector.shape_cast %get3A_465 : vector<16xf32> to vector<1x1x1x16xf32>
      tpu.vector_store %arg6[%swap3A_468, %swap3A_469, %swap3A_470, %swap3A_471], %swap3A_474 {strides = array<i32>} : memref<3x8x50x32xf32, #tpu.memory_space<vmem>>, vector<1x1x1x16xf32>,
      %get3A_475 = arith.constant 6 : i32
      %get3A_476 = arith.index_cast %rem3A_228 : i32 to index
      %get3A_477 = arith.index_cast %get3A_475 : i32 to index
      %get3A_478 = arith.constant 16 : index
      %get3A_479 = tpu.vector_load %arg7[%get3A_476, %get3A_477, %get3A_478] {strides = array<i32>} : memref<3x16x32xf32, #tpu.memory_space<vmem>>, vector<1x1x16xf32>,
      %get3A_480 = vector.shape_cast %get3A_479 : vector<1x1x16xf32> to vector<16xf32>
      %swap3A_481 = arith.constant 3 : i32
      %swap3A_482 = arith.constant 48 : i32
      %swap3A_483 = arith.index_cast %rem3A_228 : i32 to index
      %swap3A_484 = arith.index_cast %swap3A_481 : i32 to index
      %swap3A_485 = arith.index_cast %swap3A_482 : i32 to index
      %swap3A_486 = arith.constant 16 : index
      %swap3A_487 = tpu.vector_load %arg6[%swap3A_483, %swap3A_484, %swap3A_485, %swap3A_486] {strides = array<i32>} : memref<3x8x50x32xf32, #tpu.memory_space<vmem>>, vector<1x1x1x16xf32>,
      %swap3A_488 = vector.shape_cast %swap3A_487 : vector<1x1x1x16xf32> to vector<16xf32>
      %swap3A_489 = vector.shape_cast %get3A_480 : vector<16xf32> to vector<1x1x1x16xf32>
      tpu.vector_store %arg6[%swap3A_483, %swap3A_484, %swap3A_485, %swap3A_486], %swap3A_489 {strides = array<i32>} : memref<3x8x50x32xf32, #tpu.memory_space<vmem>>, vector<1x1x1x16xf32>,
      %get3A_490 = arith.constant 7 : i32
      %get3A_491 = arith.index_cast %rem3A_228 : i32 to index
      %get3A_492 = arith.index_cast %get3A_490 : i32 to index
      %get3A_493 = arith.constant 0 : index
      %get3A_494 = tpu.vector_load %arg7[%get3A_491, %get3A_492, %get3A_493] {strides = array<i32>} : memref<3x16x32xf32, #tpu.memory_space<vmem>>, vector<1x1x16xf32>,
      %get3A_495 = vector.shape_cast %get3A_494 : vector<1x1x16xf32> to vector<16xf32>
      %swap3A_496 = arith.constant 3 : i32
      %swap3A_497 = arith.constant 49 : i32
      %swap3A_498 = arith.index_cast %rem3A_228 : i32 to index
      %swap3A_499 = arith.index_cast %swap3A_496 : i32 to index
      %swap3A_500 = arith.index_cast %swap3A_497 : i32 to index
      %swap3A_501 = arith.constant 0 : index
      %swap3A_502 = tpu.vector_load %arg6[%swap3A_498, %swap3A_499, %swap3A_500, %swap3A_501] {strides = array<i32>} : memref<3x8x50x32xf32, #tpu.memory_space<vmem>>, vector<1x1x1x16xf32>,
      %swap3A_503 = vector.shape_cast %swap3A_502 : vector<1x1x1x16xf32> to vector<16xf32>
      %swap3A_504 = vector.shape_cast %get3A_495 : vector<16xf32> to vector<1x1x1x16xf32>
      tpu.vector_store %arg6[%swap3A_498, %swap3A_499, %swap3A_500, %swap3A_501], %swap3A_504 {strides = array<i32>} : memref<3x8x50x32xf32, #tpu.memory_space<vmem>>, vector<1x1x1x16xf32>,
      %get3A_505 = arith.constant 7 : i32
      %get3A_506 = arith.index_cast %rem3A_228 : i32 to index
      %get3A_507 = arith.index_cast %get3A_505 : i32 to index
      %get3A_508 = arith.constant 16 : index
      %get3A_509 = tpu.vector_load %arg7[%get3A_506, %get3A_507, %get3A_508] {strides = array<i32>} : memref<3x16x32xf32, #tpu.memory_space<vmem>>, vector<1x1x16xf32>,
      %get3A_510 = vector.shape_cast %get3A_509 : vector<1x1x16xf32> to vector<16xf32>
      %swap3A_511 = arith.constant 3 : i32
      %swap3A_512 = arith.constant 49 : i32
      %swap3A_513 = arith.index_cast %rem3A_228 : i32 to index
      %swap3A_514 = arith.index_cast %swap3A_511 : i32 to index
      %swap3A_515 = arith.index_cast %swap3A_512 : i32 to index
      %swap3A_516 = arith.constant 16 : index
      %swap3A_517 = tpu.vector_load %arg6[%swap3A_513, %swap3A_514, %swap3A_515, %swap3A_516] {strides = array<i32>} : memref<3x8x50x32xf32, #tpu.memory_space<vmem>>, vector<1x1x1x16xf32>,
      %swap3A_518 = vector.shape_cast %swap3A_517 : vector<1x1x1x16xf32> to vector<16xf32>
      %swap3A_519 = vector.shape_cast %get3A_510 : vector<16xf32> to vector<1x1x1x16xf32>
      tpu.vector_store %arg6[%swap3A_513, %swap3A_514, %swap3A_515, %swap3A_516], %swap3A_519 {strides = array<i32>} : memref<3x8x50x32xf32, #tpu.memory_space<vmem>>, vector<1x1x1x16xf32>,
      %get3A_520 = arith.constant 8 : i32
      %get3A_521 = arith.index_cast %rem3A_228 : i32 to index
      %get3A_522 = arith.index_cast %get3A_520 : i32 to index
      %get3A_523 = arith.constant 0 : index
      %get3A_524 = tpu.vector_load %arg7[%get3A_521, %get3A_522, %get3A_523] {strides = array<i32>} : memref<3x16x32xf32, #tpu.memory_space<vmem>>, vector<1x1x16xf32>,
      %get3A_525 = vector.shape_cast %get3A_524 : vector<1x1x16xf32> to vector<16xf32>
      %swap3A_526 = arith.constant 4 : i32
      %swap3A_527 = arith.constant 48 : i32
      %swap3A_528 = arith.index_cast %rem3A_228 : i32 to index
      %swap3A_529 = arith.index_cast %swap3A_526 : i32 to index
      %swap3A_530 = arith.index_cast %swap3A_527 : i32 to index
      %swap3A_531 = arith.constant 0 : index
      %swap3A_532 = tpu.vector_load %arg6[%swap3A_528, %swap3A_529, %swap3A_530, %swap3A_531] {strides = array<i32>} : memref<3x8x50x32xf32, #tpu.memory_space<vmem>>, vector<1x1x1x16xf32>,
      %swap3A_533 = vector.shape_cast %swap3A_532 : vector<1x1x1x16xf32> to vector<16xf32>
      %swap3A_534 = vector.shape_cast %get3A_525 : vector<16xf32> to vector<1x1x1x16xf32>
      tpu.vector_store %arg6[%swap3A_528, %swap3A_529, %swap3A_530, %swap3A_531], %swap3A_534 {strides = array<i32>} : memref<3x8x50x32xf32, #tpu.memory_space<vmem>>, vector<1x1x1x16xf32>,
      %get3A_535 = arith.constant 8 : i32
      %get3A_536 = arith.index_cast %rem3A_228 : i32 to index
      %get3A_537 = arith.index_cast %get3A_535 : i32 to index
      %get3A_538 = arith.constant 16 : index
      %get3A_539 = tpu.vector_load %arg7[%get3A_536, %get3A_537, %get3A_538] {strides = array<i32>} : memref<3x16x32xf32, #tpu.memory_space<vmem>>, vector<1x1x16xf32>,
      %get3A_540 = vector.shape_cast %get3A_539 : vector<1x1x16xf32> to vector<16xf32>
      %swap3A_541 = arith.constant 4 : i32
      %swap3A_542 = arith.constant 48 : i32
      %swap3A_543 = arith.index_cast %rem3A_228 : i32 to index
      %swap3A_544 = arith.index_cast %swap3A_541 : i32 to index
      %swap3A_545 = arith.index_cast %swap3A_542 : i32 to index
      %swap3A_546 = arith.constant 16 : index
      %swap3A_547 = tpu.vector_load %arg6[%swap3A_543, %swap3A_544, %swap3A_545, %swap3A_546] {strides = array<i32>} : memref<3x8x50x32xf32, #tpu.memory_space<vmem>>, vector<1x1x1x16xf32>,
      %swap3A_548 = vector.shape_cast %swap3A_547 : vector<1x1x1x16xf32> to vector<16xf32>
      %swap3A_549 = vector.shape_cast %get3A_540 : vector<16xf32> to vector<1x1x1x16xf32>
      tpu.vector_store %arg6[%swap3A_543, %swap3A_544, %swap3A_545, %swap3A_546], %swap3A_549 {strides = array<i32>} : memref<3x8x50x32xf32, #tpu.memory_space<vmem>>, vector<1x1x1x16xf32>,
      %get3A_550 = arith.constant 9 : i32
      %get3A_551 = arith.index_cast %rem3A_228 : i32 to index
      %get3A_552 = arith.index_cast %get3A_550 : i32 to index
      %get3A_553 = arith.constant 0 : index
      %get3A_554 = tpu.vector_load %arg7[%get3A_551, %get3A_552, %get3A_553] {strides = array<i32>} : memref<3x16x32xf32, #tpu.memory_space<vmem>>, vector<1x1x16xf32>,
      %get3A_555 = vector.shape_cast %get3A_554 : vector<1x1x16xf32> to vector<16xf32>
      %swap3A_556 = arith.constant 4 : i32
      %swap3A_557 = arith.constant 49 : i32
      %swap3A_558 = arith.index_cast %rem3A_228 : i32 to index
      %swap3A_559 = arith.index_cast %swap3A_556 : i32 to index
      %swap3A_560 = arith.index_cast %swap3A_557 : i32 to index
      %swap3A_561 = arith.constant 0 : index
      %swap3A_562 = tpu.vector_load %arg6[%swap3A_558, %swap3A_559, %swap3A_560, %swap3A_561] {strides = array<i32>} : memref<3x8x50x32xf32, #tpu.memory_space<vmem>>, vector<1x1x1x16xf32>,
      %swap3A_563 = vector.shape_cast %swap3A_562 : vector<1x1x1x16xf32> to vector<16xf32>
      %swap3A_564 = vector.shape_cast %get3A_555 : vector<16xf32> to vector<1x1x1x16xf32>
      tpu.vector_store %arg6[%swap3A_558, %swap3A_559, %swap3A_560, %swap3A_561], %swap3A_564 {strides = array<i32>} : memref<3x8x50x32xf32, #tpu.memory_space<vmem>>, vector<1x1x1x16xf32>,
      %get3A_565 = arith.constant 9 : i32
      %get3A_566 = arith.index_cast %rem3A_228 : i32 to index
      %get3A_567 = arith.index_cast %get3A_565 : i32 to index
      %get3A_568 = arith.constant 16 : index
      %get3A_569 = tpu.vector_load %arg7[%get3A_566, %get3A_567, %get3A_568] {strides = array<i32>} : memref<3x16x32xf32, #tpu.memory_space<vmem>>, vector<1x1x16xf32>,
      %get3A_570 = vector.shape_cast %get3A_569 : vector<1x1x16xf32> to vector<16xf32>
      %swap3A_571 = arith.constant 4 : i32
      %swap3A_572 = arith.constant 49 : i32
      %swap3A_573 = arith.index_cast %rem3A_228 : i32 to index
      %swap3A_574 = arith.index_cast %swap3A_571 : i32 to index
      %swap3A_575 = arith.index_cast %swap3A_572 : i32 to index
      %swap3A_576 = arith.constant 16 : index
      %swap3A_577 = tpu.vector_load %arg6[%swap3A_573, %swap3A_574, %swap3A_575, %swap3A_576] {strides = array<i32>} : memref<3x8x50x32xf32, #tpu.memory_space<vmem>>, vector<1x1x1x16xf32>,
      %swap3A_578 = vector.shape_cast %swap3A_577 : vector<1x1x1x16xf32> to vector<16xf32>
      %swap3A_579 = vector.shape_cast %get3A_570 : vector<16xf32> to vector<1x1x1x16xf32>
      tpu.vector_store %arg6[%swap3A_573, %swap3A_574, %swap3A_575, %swap3A_576], %swap3A_579 {strides = array<i32>} : memref<3x8x50x32xf32, #tpu.memory_space<vmem>>, vector<1x1x1x16xf32>,
      %get3A_580 = arith.constant 10 : i32
      %get3A_581 = arith.index_cast %rem3A_228 : i32 to index
      %get3A_582 = arith.index_cast %get3A_580 : i32 to index
      %get3A_583 = arith.constant 0 : index
      %get3A_584 = tpu.vector_load %arg7[%get3A_581, %get3A_582, %get3A_583] {strides = array<i32>} : memref<3x16x32xf32, #tpu.memory_space<vmem>>, vector<1x1x16xf32>,
      %get3A_585 = vector.shape_cast %get3A_584 : vector<1x1x16xf32> to vector<16xf32>
      %swap3A_586 = arith.constant 5 : i32
      %swap3A_587 = arith.constant 48 : i32
      %swap3A_588 = arith.index_cast %rem3A_228 : i32 to index
      %swap3A_589 = arith.index_cast %swap3A_586 : i32 to index
      %swap3A_590 = arith.index_cast %swap3A_587 : i32 to index
      %swap3A_591 = arith.constant 0 : index
      %swap3A_592 = tpu.vector_load %arg6[%swap3A_588, %swap3A_589, %swap3A_590, %swap3A_591] {strides = array<i32>} : memref<3x8x50x32xf32, #tpu.memory_space<vmem>>, vector<1x1x1x16xf32>,
      %swap3A_593 = vector.shape_cast %swap3A_592 : vector<1x1x1x16xf32> to vector<16xf32>
      %swap3A_594 = vector.shape_cast %get3A_585 : vector<16xf32> to vector<1x1x1x16xf32>
      tpu.vector_store %arg6[%swap3A_588, %swap3A_589, %swap3A_590, %swap3A_591], %swap3A_594 {strides = array<i32>} : memref<3x8x50x32xf32, #tpu.memory_space<vmem>>, vector<1x1x1x16xf32>,
      %get3A_595 = arith.constant 10 : i32
      %get3A_596 = arith.index_cast %rem3A_228 : i32 to index
      %get3A_597 = arith.index_cast %get3A_595 : i32 to index
      %get3A_598 = arith.constant 16 : index
      %get3A_599 = tpu.vector_load %arg7[%get3A_596, %get3A_597, %get3A_598] {strides = array<i32>} : memref<3x16x32xf32, #tpu.memory_space<vmem>>, vector<1x1x16xf32>,
      %get3A_600 = vector.shape_cast %get3A_599 : vector<1x1x16xf32> to vector<16xf32>
      %swap3A_601 = arith.constant 5 : i32
      %swap3A_602 = arith.constant 48 : i32
      %swap3A_603 = arith.index_cast %rem3A_228 : i32 to index
      %swap3A_604 = arith.index_cast %swap3A_601 : i32 to index
      %swap3A_605 = arith.index_cast %swap3A_602 : i32 to index
      %swap3A_606 = arith.constant 16 : index
      %swap3A_607 = tpu.vector_load %arg6[%swap3A_603, %swap3A_604, %swap3A_605, %swap3A_606] {strides = array<i32>} : memref<3x8x50x32xf32, #tpu.memory_space<vmem>>, vector<1x1x1x16xf32>,
      %swap3A_608 = vector.shape_cast %swap3A_607 : vector<1x1x1x16xf32> to vector<16xf32>
      %swap3A_609 = vector.shape_cast %get3A_600 : vector<16xf32> to vector<1x1x1x16xf32>
      tpu.vector_store %arg6[%swap3A_603, %swap3A_604, %swap3A_605, %swap3A_606], %swap3A_609 {strides = array<i32>} : memref<3x8x50x32xf32, #tpu.memory_space<vmem>>, vector<1x1x1x16xf32>,
      %get3A_610 = arith.constant 11 : i32
      %get3A_611 = arith.index_cast %rem3A_228 : i32 to index
      %get3A_612 = arith.index_cast %get3A_610 : i32 to index
      %get3A_613 = arith.constant 0 : index
      %get3A_614 = tpu.vector_load %arg7[%get3A_611, %get3A_612, %get3A_613] {strides = array<i32>} : memref<3x16x32xf32, #tpu.memory_space<vmem>>, vector<1x1x16xf32>,
      %get3A_615 = vector.shape_cast %get3A_614 : vector<1x1x16xf32> to vector<16xf32>
      %swap3A_616 = arith.constant 5 : i32
      %swap3A_617 = arith.constant 49 : i32
      %swap3A_618 = arith.index_cast %rem3A_228 : i32 to index
      %swap3A_619 = arith.index_cast %swap3A_616 : i32 to index
      %swap3A_620 = arith.index_cast %swap3A_617 : i32 to index
      %swap3A_621 = arith.constant 0 : index
      %swap3A_622 = tpu.vector_load %arg6[%swap3A_618, %swap3A_619, %swap3A_620, %swap3A_621] {strides = array<i32>} : memref<3x8x50x32xf32, #tpu.memory_space<vmem>>, vector<1x1x1x16xf32>,
      %swap3A_623 = vector.shape_cast %swap3A_622 : vector<1x1x1x16xf32> to vector<16xf32>
      %swap3A_624 = vector.shape_cast %get3A_615 : vector<16xf32> to vector<1x1x1x16xf32>
      tpu.vector_store %arg6[%swap3A_618, %swap3A_619, %swap3A_620, %swap3A_621], %swap3A_624 {strides = array<i32>} : memref<3x8x50x32xf32, #tpu.memory_space<vmem>>, vector<1x1x1x16xf32>,
      %get3A_625 = arith.constant 11 : i32
      %get3A_626 = arith.index_cast %rem3A_228 : i32 to index
      %get3A_627 = arith.index_cast %get3A_625 : i32 to index
      %get3A_628 = arith.constant 16 : index
      %get3A_629 = tpu.vector_load %arg7[%get3A_626, %get3A_627, %get3A_628] {strides = array<i32>} : memref<3x16x32xf32, #tpu.memory_space<vmem>>, vector<1x1x16xf32>,
      %get3A_630 = vector.shape_cast %get3A_629 : vector<1x1x16xf32> to vector<16xf32>
      %swap3A_631 = arith.constant 5 : i32
      %swap3A_632 = arith.constant 49 : i32
      %swap3A_633 = arith.index_cast %rem3A_228 : i32 to index
      %swap3A_634 = arith.index_cast %swap3A_631 : i32 to index
      %swap3A_635 = arith.index_cast %swap3A_632 : i32 to index
      %swap3A_636 = arith.constant 16 : index
      %swap3A_637 = tpu.vector_load %arg6[%swap3A_633, %swap3A_634, %swap3A_635, %swap3A_636] {strides = array<i32>} : memref<3x8x50x32xf32, #tpu.memory_space<vmem>>, vector<1x1x1x16xf32>,
      %swap3A_638 = vector.shape_cast %swap3A_637 : vector<1x1x1x16xf32> to vector<16xf32>
      %swap3A_639 = vector.shape_cast %get3A_630 : vector<16xf32> to vector<1x1x1x16xf32>
      tpu.vector_store %arg6[%swap3A_633, %swap3A_634, %swap3A_635, %swap3A_636], %swap3A_639 {strides = array<i32>} : memref<3x8x50x32xf32, #tpu.memory_space<vmem>>, vector<1x1x1x16xf32>,
      %get3A_640 = arith.constant 12 : i32
      %get3A_641 = arith.index_cast %rem3A_228 : i32 to index
      %get3A_642 = arith.index_cast %get3A_640 : i32 to index
      %get3A_643 = arith.constant 0 : index
      %get3A_644 = tpu.vector_load %arg7[%get3A_641, %get3A_642, %get3A_643] {strides = array<i32>} : memref<3x16x32xf32, #tpu.memory_space<vmem>>, vector<1x1x16xf32>,
      %get3A_645 = vector.shape_cast %get3A_644 : vector<1x1x16xf32> to vector<16xf32>
      %swap3A_646 = arith.constant 6 : i32
      %swap3A_647 = arith.constant 48 : i32
      %swap3A_648 = arith.index_cast %rem3A_228 : i32 to index
      %swap3A_649 = arith.index_cast %swap3A_646 : i32 to index
      %swap3A_650 = arith.index_cast %swap3A_647 : i32 to index
      %swap3A_651 = arith.constant 0 : index
      %swap3A_652 = tpu.vector_load %arg6[%swap3A_648, %swap3A_649, %swap3A_650, %swap3A_651] {strides = array<i32>} : memref<3x8x50x32xf32, #tpu.memory_space<vmem>>, vector<1x1x1x16xf32>,
      %swap3A_653 = vector.shape_cast %swap3A_652 : vector<1x1x1x16xf32> to vector<16xf32>
      %swap3A_654 = vector.shape_cast %get3A_645 : vector<16xf32> to vector<1x1x1x16xf32>
      tpu.vector_store %arg6[%swap3A_648, %swap3A_649, %swap3A_650, %swap3A_651], %swap3A_654 {strides = array<i32>} : memref<3x8x50x32xf32, #tpu.memory_space<vmem>>, vector<1x1x1x16xf32>,
      %get3A_655 = arith.constant 12 : i32
      %get3A_656 = arith.index_cast %rem3A_228 : i32 to index
      %get3A_657 = arith.index_cast %get3A_655 : i32 to index
      %get3A_658 = arith.constant 16 : index
      %get3A_659 = tpu.vector_load %arg7[%get3A_656, %get3A_657, %get3A_658] {strides = array<i32>} : memref<3x16x32xf32, #tpu.memory_space<vmem>>, vector<1x1x16xf32>,
      %get3A_660 = vector.shape_cast %get3A_659 : vector<1x1x16xf32> to vector<16xf32>
      %swap3A_661 = arith.constant 6 : i32
      %swap3A_662 = arith.constant 48 : i32
      %swap3A_663 = arith.index_cast %rem3A_228 : i32 to index
      %swap3A_664 = arith.index_cast %swap3A_661 : i32 to index
      %swap3A_665 = arith.index_cast %swap3A_662 : i32 to index
      %swap3A_666 = arith.constant 16 : index
      %swap3A_667 = tpu.vector_load %arg6[%swap3A_663, %swap3A_664, %swap3A_665, %swap3A_666] {strides = array<i32>} : memref<3x8x50x32xf32, #tpu.memory_space<vmem>>, vector<1x1x1x16xf32>,
      %swap3A_668 = vector.shape_cast %swap3A_667 : vector<1x1x1x16xf32> to vector<16xf32>
      %swap3A_669 = vector.shape_cast %get3A_660 : vector<16xf32> to vector<1x1x1x16xf32>
      tpu.vector_store %arg6[%swap3A_663, %swap3A_664, %swap3A_665, %swap3A_666], %swap3A_669 {strides = array<i32>} : memref<3x8x50x32xf32, #tpu.memory_space<vmem>>, vector<1x1x1x16xf32>,
      %get3A_670 = arith.constant 13 : i32
      %get3A_671 = arith.index_cast %rem3A_228 : i32 to index
      %get3A_672 = arith.index_cast %get3A_670 : i32 to index
      %get3A_673 = arith.constant 0 : index
      %get3A_674 = tpu.vector_load %arg7[%get3A_671, %get3A_672, %get3A_673] {strides = array<i32>} : memref<3x16x32xf32, #tpu.memory_space<vmem>>, vector<1x1x16xf32>,
      %get3A_675 = vector.shape_cast %get3A_674 : vector<1x1x16xf32> to vector<16xf32>
      %swap3A_676 = arith.constant 6 : i32
      %swap3A_677 = arith.constant 49 : i32
      %swap3A_678 = arith.index_cast %rem3A_228 : i32 to index
      %swap3A_679 = arith.index_cast %swap3A_676 : i32 to index
      %swap3A_680 = arith.index_cast %swap3A_677 : i32 to index
      %swap3A_681 = arith.constant 0 : index
      %swap3A_682 = tpu.vector_load %arg6[%swap3A_678, %swap3A_679, %swap3A_680, %swap3A_681] {strides = array<i32>} : memref<3x8x50x32xf32, #tpu.memory_space<vmem>>, vector<1x1x1x16xf32>,
      %swap3A_683 = vector.shape_cast %swap3A_682 : vector<1x1x1x16xf32> to vector<16xf32>
      %swap3A_684 = vector.shape_cast %get3A_675 : vector<16xf32> to vector<1x1x1x16xf32>
      tpu.vector_store %arg6[%swap3A_678, %swap3A_679, %swap3A_680, %swap3A_681], %swap3A_684 {strides = array<i32>} : memref<3x8x50x32xf32, #tpu.memory_space<vmem>>, vector<1x1x1x16xf32>,
      %get3A_685 = arith.constant 13 : i32
      %get3A_686 = arith.index_cast %rem3A_228 : i32 to index
      %get3A_687 = arith.index_cast %get3A_685 : i32 to index
      %get3A_688 = arith.constant 16 : index
      %get3A_689 = tpu.vector_load %arg7[%get3A_686, %get3A_687, %get3A_688] {strides = array<i32>} : memref<3x16x32xf32, #tpu.memory_space<vmem>>, vector<1x1x16xf32>,
      %get3A_690 = vector.shape_cast %get3A_689 : vector<1x1x16xf32> to vector<16xf32>
      %swap3A_691 = arith.constant 6 : i32
      %swap3A_692 = arith.constant 49 : i32
      %swap3A_693 = arith.index_cast %rem3A_228 : i32 to index
      %swap3A_694 = arith.index_cast %swap3A_691 : i32 to index
      %swap3A_695 = arith.index_cast %swap3A_692 : i32 to index
      %swap3A_696 = arith.constant 16 : index
      %swap3A_697 = tpu.vector_load %arg6[%swap3A_693, %swap3A_694, %swap3A_695, %swap3A_696] {strides = array<i32>} : memref<3x8x50x32xf32, #tpu.memory_space<vmem>>, vector<1x1x1x16xf32>,
      %swap3A_698 = vector.shape_cast %swap3A_697 : vector<1x1x1x16xf32> to vector<16xf32>
      %swap3A_699 = vector.shape_cast %get3A_690 : vector<16xf32> to vector<1x1x1x16xf32>
      tpu.vector_store %arg6[%swap3A_693, %swap3A_694, %swap3A_695, %swap3A_696], %swap3A_699 {strides = array<i32>} : memref<3x8x50x32xf32, #tpu.memory_space<vmem>>, vector<1x1x1x16xf32>,
      %get3A_700 = arith.constant 14 : i32
      %get3A_701 = arith.index_cast %rem3A_228 : i32 to index
      %get3A_702 = arith.index_cast %get3A_700 : i32 to index
      %get3A_703 = arith.constant 0 : index
      %get3A_704 = tpu.vector_load %arg7[%get3A_701, %get3A_702, %get3A_703] {strides = array<i32>} : memref<3x16x32xf32, #tpu.memory_space<vmem>>, vector<1x1x16xf32>,
      %get3A_705 = vector.shape_cast %get3A_704 : vector<1x1x16xf32> to vector<16xf32>
      %swap3A_706 = arith.constant 7 : i32
      %swap3A_707 = arith.constant 48 : i32
      %swap3A_708 = arith.index_cast %rem3A_228 : i32 to index
      %swap3A_709 = arith.index_cast %swap3A_706 : i32 to index
      %swap3A_710 = arith.index_cast %swap3A_707 : i32 to index
      %swap3A_711 = arith.constant 0 : index
      %swap3A_712 = tpu.vector_load %arg6[%swap3A_708, %swap3A_709, %swap3A_710, %swap3A_711] {strides = array<i32>} : memref<3x8x50x32xf32, #tpu.memory_space<vmem>>, vector<1x1x1x16xf32>,
      %swap3A_713 = vector.shape_cast %swap3A_712 : vector<1x1x1x16xf32> to vector<16xf32>
      %swap3A_714 = vector.shape_cast %get3A_705 : vector<16xf32> to vector<1x1x1x16xf32>
      tpu.vector_store %arg6[%swap3A_708, %swap3A_709, %swap3A_710, %swap3A_711], %swap3A_714 {strides = array<i32>} : memref<3x8x50x32xf32, #tpu.memory_space<vmem>>, vector<1x1x1x16xf32>,
      %get3A_715 = arith.constant 14 : i32
      %get3A_716 = arith.index_cast %rem3A_228 : i32 to index
      %get3A_717 = arith.index_cast %get3A_715 : i32 to index
      %get3A_718 = arith.constant 16 : index
      %get3A_719 = tpu.vector_load %arg7[%get3A_716, %get3A_717, %get3A_718] {strides = array<i32>} : memref<3x16x32xf32, #tpu.memory_space<vmem>>, vector<1x1x16xf32>,
      %get3A_720 = vector.shape_cast %get3A_719 : vector<1x1x16xf32> to vector<16xf32>
      %swap3A_721 = arith.constant 7 : i32
      %swap3A_722 = arith.constant 48 : i32
      %swap3A_723 = arith.index_cast %rem3A_228 : i32 to index
      %swap3A_724 = arith.index_cast %swap3A_721 : i32 to index
      %swap3A_725 = arith.index_cast %swap3A_722 : i32 to index
      %swap3A_726 = arith.constant 16 : index
      %swap3A_727 = tpu.vector_load %arg6[%swap3A_723, %swap3A_724, %swap3A_725, %swap3A_726] {strides = array<i32>} : memref<3x8x50x32xf32, #tpu.memory_space<vmem>>, vector<1x1x1x16xf32>,
      %swap3A_728 = vector.shape_cast %swap3A_727 : vector<1x1x1x16xf32> to vector<16xf32>
      %swap3A_729 = vector.shape_cast %get3A_720 : vector<16xf32> to vector<1x1x1x16xf32>
      tpu.vector_store %arg6[%swap3A_723, %swap3A_724, %swap3A_725, %swap3A_726], %swap3A_729 {strides = array<i32>} : memref<3x8x50x32xf32, #tpu.memory_space<vmem>>, vector<1x1x1x16xf32>,
      %get3A_730 = arith.constant 15 : i32
      %get3A_731 = arith.index_cast %rem3A_228 : i32 to index
      %get3A_732 = arith.index_cast %get3A_730 : i32 to index
      %get3A_733 = arith.constant 0 : index
      %get3A_734 = tpu.vector_load %arg7[%get3A_731, %get3A_732, %get3A_733] {strides = array<i32>} : memref<3x16x32xf32, #tpu.memory_space<vmem>>, vector<1x1x16xf32>,
      %get3A_735 = vector.shape_cast %get3A_734 : vector<1x1x16xf32> to vector<16xf32>
      %swap3A_736 = arith.constant 7 : i32
      %swap3A_737 = arith.constant 49 : i32
      %swap3A_738 = arith.index_cast %rem3A_228 : i32 to index
      %swap3A_739 = arith.index_cast %swap3A_736 : i32 to index
      %swap3A_740 = arith.index_cast %swap3A_737 : i32 to index
      %swap3A_741 = arith.constant 0 : index
      %swap3A_742 = tpu.vector_load %arg6[%swap3A_738, %swap3A_739, %swap3A_740, %swap3A_741] {strides = array<i32>} : memref<3x8x50x32xf32, #tpu.memory_space<vmem>>, vector<1x1x1x16xf32>,
      %swap3A_743 = vector.shape_cast %swap3A_742 : vector<1x1x1x16xf32> to vector<16xf32>
      %swap3A_744 = vector.shape_cast %get3A_735 : vector<16xf32> to vector<1x1x1x16xf32>
      tpu.vector_store %arg6[%swap3A_738, %swap3A_739, %swap3A_740, %swap3A_741], %swap3A_744 {strides = array<i32>} : memref<3x8x50x32xf32, #tpu.memory_space<vmem>>, vector<1x1x1x16xf32>,
      %get3A_745 = arith.constant 15 : i32
      %get3A_746 = arith.index_cast %rem3A_228 : i32 to index
      %get3A_747 = arith.index_cast %get3A_745 : i32 to index
      %get3A_748 = arith.constant 16 : index
      %get3A_749 = tpu.vector_load %arg7[%get3A_746, %get3A_747, %get3A_748] {strides = array<i32>} : memref<3x16x32xf32, #tpu.memory_space<vmem>>, vector<1x1x16xf32>,
      %get3A_750 = vector.shape_cast %get3A_749 : vector<1x1x16xf32> to vector<16xf32>
      %swap3A_751 = arith.constant 7 : i32
      %swap3A_752 = arith.constant 49 : i32
      %swap3A_753 = arith.index_cast %rem3A_228 : i32 to index
      %swap3A_754 = arith.index_cast %swap3A_751 : i32 to index
      %swap3A_755 = arith.index_cast %swap3A_752 : i32 to index
      %swap3A_756 = arith.constant 16 : index
      %swap3A_757 = tpu.vector_load %arg6[%swap3A_753, %swap3A_754, %swap3A_755, %swap3A_756] {strides = array<i32>} : memref<3x8x50x32xf32, #tpu.memory_space<vmem>>, vector<1x1x1x16xf32>,
      %swap3A_758 = vector.shape_cast %swap3A_757 : vector<1x1x1x16xf32> to vector<16xf32>
      %swap3A_759 = vector.shape_cast %get3A_750 : vector<16xf32> to vector<1x1x1x16xf32>
      tpu.vector_store %arg6[%swap3A_753, %swap3A_754, %swap3A_755, %swap3A_756], %swap3A_759 {strides = array<i32>} : memref<3x8x50x32xf32, #tpu.memory_space<vmem>>, vector<1x1x1x16xf32>,
      %mul3A_760 = arith.constant 8 : i32
      %mul3A_761 = arith.muli %scan3A_227, %mul3A_760 : i32
      %add3A_762 = arith.addi %mul3A_2, %mul3A_761 : i32
      %dma_start3A_763 = arith.constant 0 : i32
      %dma_start3A_764 = arith.constant 0 : i32
      %dma_start3A_765 = arith.constant 0 : i32
      %dma_start3A_766 = tpu.memref_slice %arg6[%rem3A_228, %dma_start3A_763, %dma_start3A_764, %dma_start3A_765] : memref<3x8x50x32xf32, #tpu.memory_space<vmem>> -> memref<1x8x50x32xf32, #tpu.memory_space<vmem>>
      %dma_start3A_767 = tpu.memref_squeeze %dma_start3A_766 : memref<1x8x50x32xf32, #tpu.memory_space<vmem>> -> memref<8x50x32xf32, #tpu.memory_space<vmem>>
      %dma_start3A_768 = arith.constant 0 : i32
      %dma_start3A_769 = arith.constant 0 : i32
      %dma_start3A_770 = tpu.memref_slice %arg4[%add3A_762, %dma_start3A_768, %dma_start3A_769] : memref<16384x50x32xf32, #tpu.memory_space<hbm>> -> memref<8x50x32xf32, #tpu.memory_space<hbm>>
      %dma_start3A_771 = tpu.memref_slice %arg9[%rem3A_228] : memref<3x!tpu.dma_semaphore, #tpu.memory_space<semaphore_mem>> -> memref<1x!tpu.dma_semaphore, #tpu.memory_space<semaphore_mem>>
      %dma_start3A_772 = tpu.memref_squeeze %dma_start3A_771 : memref<1x!tpu.dma_semaphore, #tpu.memory_space<semaphore_mem>> -> memref<!tpu.dma_semaphore, #tpu.memory_space<semaphore_mem>>
      %dma_start3A_773 = arith.constant 0 : i32
      %dma_start3A_774 = arith.constant 0 : i32
      %dma_start3A_775 = tpu.memref_slice %arg4[%add3A_762, %dma_start3A_773, %dma_start3A_774] : memref<16384x50x32xf32, #tpu.memory_space<hbm>> -> memref<8x50x32xf32, #tpu.memory_space<hbm>>
      %dma_start3A_776 = arith.constant 0 : i32
      %dma_start3A_777 = arith.constant 0 : i32
      %dma_start3A_778 = arith.constant 0 : i32
      %dma_start3A_779 = tpu.memref_slice %arg6[%rem3A_228, %dma_start3A_776, %dma_start3A_777, %dma_start3A_778] : memref<3x8x50x32xf32, #tpu.memory_space<vmem>> -> memref<1x8x50x32xf32, #tpu.memory_space<vmem>>
      %dma_start3A_780 = tpu.memref_squeeze %dma_start3A_779 : memref<1x8x50x32xf32, #tpu.memory_space<vmem>> -> memref<8x50x32xf32, #tpu.memory_space<vmem>>
      tpu.enqueue_dma source(%dma_start3A_780 : memref<8x50x32xf32, #tpu.memory_space<vmem>>) target(%dma_start3A_775 : memref<8x50x32xf32, #tpu.memory_space<hbm>>) target_semaphore(%dma_start3A_772 : memref<!tpu.dma_semaphore, #tpu.memory_space<semaphore_mem>>)
    }
    %scan3A_167 = arith.constant 64 : i32
    %dma_wait3A = arith.constant 0 : i32
    %dma_wait3A_168 = arith.constant 0 : i32
    %dma_wait3A_169 = arith.constant 0 : i32
    %dma_wait3A_170 = arith.constant 0 : i32
    %dma_wait3A_171 = arith.constant 0 : i32
    %dma_wait3A_172 = tpu.memref_slice %arg6[%dma_wait3A, %dma_wait3A_169, %dma_wait3A_170, %dma_wait3A_171] : memref<3x8x50x32xf32, #tpu.memory_space<vmem>> -> memref<1x8x50x32xf32, #tpu.memory_space<vmem>>
    %dma_wait3A_173 = tpu.memref_squeeze %dma_wait3A_172 : memref<1x8x50x32xf32, #tpu.memory_space<vmem>> -> memref<8x50x32xf32, #tpu.memory_space<vmem>>
    %dma_wait3A_174 = arith.constant 0 : i32
    %dma_wait3A_175 = arith.constant 0 : i32
    %dma_wait3A_176 = tpu.memref_slice %arg4[%mul3A_2, %dma_wait3A_174, %dma_wait3A_175] : memref<16384x50x32xf32, #tpu.memory_space<hbm>> -> memref<8x50x32xf32, #tpu.memory_space<hbm>>
    %dma_wait3A_177 = tpu.memref_slice %arg9[%dma_wait3A_168] : memref<3x!tpu.dma_semaphore, #tpu.memory_space<semaphore_mem>> -> memref<1x!tpu.dma_semaphore, #tpu.memory_space<semaphore_mem>>
    %dma_wait3A_178 = tpu.memref_squeeze %dma_wait3A_177 : memref<1x!tpu.dma_semaphore, #tpu.memory_space<semaphore_mem>> -> memref<!tpu.dma_semaphore, #tpu.memory_space<semaphore_mem>>
    %dma_wait3A_179 = arith.constant 0 : i32
    %dma_wait3A_180 = arith.constant 0 : i32
    %dma_wait3A_181 = tpu.memref_slice %arg4[%mul3A_2, %dma_wait3A_179, %dma_wait3A_180] : memref<16384x50x32xf32, #tpu.memory_space<hbm>> -> memref<8x50x32xf32, #tpu.memory_space<hbm>>
    %dma_wait3A_182 = arith.constant 0 : i32
    %dma_wait3A_183 = arith.constant 0 : i32
    %dma_wait3A_184 = arith.constant 0 : i32
    %dma_wait3A_185 = tpu.memref_slice %arg6[%dma_wait3A, %dma_wait3A_182, %dma_wait3A_183, %dma_wait3A_184] : memref<3x8x50x32xf32, #tpu.memory_space<vmem>> -> memref<1x8x50x32xf32, #tpu.memory_space<vmem>>
    %dma_wait3A_186 = tpu.memref_squeeze %dma_wait3A_185 : memref<1x8x50x32xf32, #tpu.memory_space<vmem>> -> memref<8x50x32xf32, #tpu.memory_space<vmem>>
    tpu.wait_dma2 semaphore(%dma_wait3A_178 : memref<!tpu.dma_semaphore, #tpu.memory_space<semaphore_mem>>) src(%dma_wait3A_186 : memref<8x50x32xf32, #tpu.memory_space<vmem>>) dst(%dma_wait3A_181 : memref<8x50x32xf32, #tpu.memory_space<hbm>>)
    %dma_wait3A_187 = arith.constant 1 : i32
    %dma_wait3A_188 = arith.constant 1 : i32
    %dma_wait3A_189 = arith.constant 0 : i32
    %dma_wait3A_190 = arith.constant 0 : i32
    %dma_wait3A_191 = arith.constant 0 : i32
    %dma_wait3A_192 = tpu.memref_slice %arg6[%dma_wait3A_187, %dma_wait3A_189, %dma_wait3A_190, %dma_wait3A_191] : memref<3x8x50x32xf32, #tpu.memory_space<vmem>> -> memref<1x8x50x32xf32, #tpu.memory_space<vmem>>
    %dma_wait3A_193 = tpu.memref_squeeze %dma_wait3A_192 : memref<1x8x50x32xf32, #tpu.memory_space<vmem>> -> memref<8x50x32xf32, #tpu.memory_space<vmem>>
    %dma_wait3A_194 = arith.constant 0 : i32
    %dma_wait3A_195 = arith.constant 0 : i32
    %dma_wait3A_196 = tpu.memref_slice %arg4[%mul3A_2, %dma_wait3A_194, %dma_wait3A_195] : memref<16384x50x32xf32, #tpu.memory_space<hbm>> -> memref<8x50x32xf32, #tpu.memory_space<hbm>>
    %dma_wait3A_197 = tpu.memref_slice %arg9[%dma_wait3A_188] : memref<3x!tpu.dma_semaphore, #tpu.memory_space<semaphore_mem>> -> memref<1x!tpu.dma_semaphore, #tpu.memory_space<semaphore_mem>>
    %dma_wait3A_198 = tpu.memref_squeeze %dma_wait3A_197 : memref<1x!tpu.dma_semaphore, #tpu.memory_space<semaphore_mem>> -> memref<!tpu.dma_semaphore, #tpu.memory_space<semaphore_mem>>
    %dma_wait3A_199 = arith.constant 0 : i32
    %dma_wait3A_200 = arith.constant 0 : i32
    %dma_wait3A_201 = tpu.memref_slice %arg4[%mul3A_2, %dma_wait3A_199, %dma_wait3A_200] : memref<16384x50x32xf32, #tpu.memory_space<hbm>> -> memref<8x50x32xf32, #tpu.memory_space<hbm>>
    %dma_wait3A_202 = arith.constant 0 : i32
    %dma_wait3A_203 = arith.constant 0 : i32
    %dma_wait3A_204 = arith.constant 0 : i32
    %dma_wait3A_205 = tpu.memref_slice %arg6[%dma_wait3A_187, %dma_wait3A_202, %dma_wait3A_203, %dma_wait3A_204] : memref<3x8x50x32xf32, #tpu.memory_space<vmem>> -> memref<1x8x50x32xf32, #tpu.memory_space<vmem>>
    %dma_wait3A_206 = tpu.memref_squeeze %dma_wait3A_205 : memref<1x8x50x32xf32, #tpu.memory_space<vmem>> -> memref<8x50x32xf32, #tpu.memory_space<vmem>>
    tpu.wait_dma2 semaphore(%dma_wait3A_198 : memref<!tpu.dma_semaphore, #tpu.memory_space<semaphore_mem>>) src(%dma_wait3A_206 : memref<8x50x32xf32, #tpu.memory_space<vmem>>) dst(%dma_wait3A_201 : memref<8x50x32xf32, #tpu.memory_space<hbm>>)
    %dma_wait3A_207 = arith.constant 2 : i32
    %dma_wait3A_208 = arith.constant 2 : i32
    %dma_wait3A_209 = arith.constant 0 : i32
    %dma_wait3A_210 = arith.constant 0 : i32
    %dma_wait3A_211 = arith.constant 0 : i32
    %dma_wait3A_212 = tpu.memref_slice %arg6[%dma_wait3A_207, %dma_wait3A_209, %dma_wait3A_210, %dma_wait3A_211] : memref<3x8x50x32xf32, #tpu.memory_space<vmem>> -> memref<1x8x50x32xf32, #tpu.memory_space<vmem>>
    %dma_wait3A_213 = tpu.memref_squeeze %dma_wait3A_212 : memref<1x8x50x32xf32, #tpu.memory_space<vmem>> -> memref<8x50x32xf32, #tpu.memory_space<vmem>>
    %dma_wait3A_214 = arith.constant 0 : i32
    %dma_wait3A_215 = arith.constant 0 : i32
    %dma_wait3A_216 = tpu.memref_slice %arg4[%mul3A_2, %dma_wait3A_214, %dma_wait3A_215] : memref<16384x50x32xf32, #tpu.memory_space<hbm>> -> memref<8x50x32xf32, #tpu.memory_space<hbm>>
    %dma_wait3A_217 = tpu.memref_slice %arg9[%dma_wait3A_208] : memref<3x!tpu.dma_semaphore, #tpu.memory_space<semaphore_mem>> -> memref<1x!tpu.dma_semaphore, #tpu.memory_space<semaphore_mem>>
    %dma_wait3A_218 = tpu.memref_squeeze %dma_wait3A_217 : memref<1x!tpu.dma_semaphore, #tpu.memory_space<semaphore_mem>> -> memref<!tpu.dma_semaphore, #tpu.memory_space<semaphore_mem>>
    %dma_wait3A_219 = arith.constant 0 : i32
    %dma_wait3A_220 = arith.constant 0 : i32
    %dma_wait3A_221 = tpu.memref_slice %arg4[%mul3A_2, %dma_wait3A_219, %dma_wait3A_220] : memref<16384x50x32xf32, #tpu.memory_space<hbm>> -> memref<8x50x32xf32, #tpu.memory_space<hbm>>
    %dma_wait3A_222 = arith.constant 0 : i32
    %dma_wait3A_223 = arith.constant 0 : i32
    %dma_wait3A_224 = arith.constant 0 : i32
    %dma_wait3A_225 = tpu.memref_slice %arg6[%dma_wait3A_207, %dma_wait3A_222, %dma_wait3A_223, %dma_wait3A_224] : memref<3x8x50x32xf32, #tpu.memory_space<vmem>> -> memref<1x8x50x32xf32, #tpu.memory_space<vmem>>
    %dma_wait3A_226 = tpu.memref_squeeze %dma_wait3A_225 : memref<1x8x50x32xf32, #tpu.memory_space<vmem>> -> memref<8x50x32xf32, #tpu.memory_space<vmem>>
    tpu.wait_dma2 semaphore(%dma_wait3A_218 : memref<!tpu.dma_semaphore, #tpu.memory_space<semaphore_mem>>) src(%dma_wait3A_226 : memref<8x50x32xf32, #tpu.memory_space<vmem>>) dst(%dma_wait3A_221 : memref<8x50x32xf32, #tpu.memory_space<hbm>>)
    return
  }
}

module attributes {stable_mosaic.version = 14 : i64} {
  func.func @_prep_body(%arg0: memref<64x32xf32, #tpu.memory_space<vmem>>, %arg1: memref<16x128xf32, #tpu.memory_space<vmem>>, %arg2: memref<800x128xf32, #tpu.memory_space<vmem>>) attributes {dimension_semantics = [], scalar_prefetch = 0 : i64, scratch_operands = 0 : i64, tpu.core_type = #tpu.core_type<tc>} {
    %get3A = arith.constant 0 : index
    %get3A_0 = arith.constant 0 : index
    %get3A_1 = vector.load %arg1[%get3A, %get3A_0] : memref<16x128xf32, #tpu.memory_space<vmem>>, vector<16x128xf32>
    %get3A_2 = arith.constant 0 : index
    %get3A_3 = arith.constant 0 : index
    %get3A_4 = vector.load %arg0[%get3A_2, %get3A_3] : memref<64x32xf32, #tpu.memory_space<vmem>>, vector<50x32xf32>
    %concatenate3A = tpu.concatenate %get3A_4, %get3A_4, %get3A_4, %get3A_4 in 1 : vector<50x32xf32>, vector<50x32xf32>, vector<50x32xf32>, vector<50x32xf32> -> vector<50x128xf32>
    %broadcast_in_dim3A = vector.shape_cast %get3A_1 : vector<16x128xf32> to vector<1x16x128xf32>
    %broadcast_in_dim3A_5 = vector.shape_cast %concatenate3A : vector<50x128xf32> to vector<50x1x128xf32>
    %add3A = vector.broadcast %broadcast_in_dim3A : vector<1x16x128xf32> to vector<50x16x128xf32>
    %add3A_6 = vector.broadcast %broadcast_in_dim3A_5 : vector<50x1x128xf32> to vector<50x16x128xf32>
    %add3A_7 = arith.addf %add3A, %add3A_6 : vector<50x16x128xf32>
    %reshape3A = vector.shape_cast %add3A_7 : vector<50x16x128xf32> to vector<800x128xf32>
    %swap3A = arith.constant 0 : index
    %swap3A_8 = arith.constant 0 : index
    %swap3A_9 = vector.load %arg2[%swap3A, %swap3A_8] : memref<800x128xf32, #tpu.memory_space<vmem>>, vector<800x128xf32>
    tpu.vector_store %arg2[%swap3A, %swap3A_8], %reshape3A {strides = array<i32>} : memref<800x128xf32, #tpu.memory_space<vmem>>, vector<800x128xf32>,
    return
  }
}

</mosaic_0001>

<sc_bundles>
// kernel: kernel.4.cloned.1.call-start
scs
__scs_entry_jumppad:
0x0: {  	(pc) =	sbr.rel $0x88, $3  }
0x1: {  	(tag) =	ssettag $0x0;
	lr =	simm.s32 $0x1  }
0x2: {  	[smem:$0x3F9F] =	sst lr;
	_ =	strace $0xD0000000  }
0x3: {  	_ = 	snop  }
0x4: {  	_ = 	snop  }
0x5: {  	_ = 	snop  }
0x6: {  	_ = 	snop  }
0x7: {  	_ = 	snop  }
__scs_overlays_trampoline_lowered:
0x8: {  	[smem:$0x3FAE] =	sst s0  }
0x9: {  	[smem:$0x3FAF] =	sst s1  }
0xa: {  	[smem:$0x3FB0] =	sst s2  }
0xb: {  	[smem:$0x3FB1] =	sst s3  }
0xc: {  	[smem:$0x3FB2] =	sst s4  }
0xd: {  	[smem:$0x3FB3] =	sst s5  }
0xe: {  	[smem:$0x3FB4] =	sst s6  }
0xf: {  	[smem:$0x3FB5] =	sst s7  }
0x10: {  	[smem:$0x3FB6] =	sst s8  }
0x11: {  	[smem:$0x3FB7] =	sst s9;
	s0 =	simm.s32 @!p0 $0x0  }
0x12: {  	s1 =	sld [smem:$0x3F9D];
	s0 =	simm.s32 @p0 $0x1  }
0x13: {  	[smem:$0x3FB8] =	sst s0;
	s0 =	simm.s32 @!p1 $0x0  }
0x14: {  	s2 =	sld [smem:$0x3F9C];
	s0 =	simm.s32 @p1 $0x1  }
0x15: {  	[smem:$0x3FB9] =	sst s0;
	s0 =	simm.s32 @!p2 $0x0  }
0x16: {  	s3 =	sld [smem:$0x3FDB];
	s0 =	simm.s32 @p2 $0x1  }
0x17: {  	s4 =	simm.s32 $0x1BF5;
	[smem:$0x3FBB] =	sst s0  }
0x18: {  	s0 =	sld [smem:$0x3F9E];
	_ =	swait.ge [sflag:s4], $0x0  }
0x19: {  	s7 =	sld [smem:$0x3F9F]  }
0x1a: {  	s8 =	sadd.s32 $0xFFFFE003, lr  }
0x1b: {  	s9 =	sadd.s32 $0xFFFFFEF7, lr;
	s5 =	simm.s32 $0xFFFFFFFF;
	p2 =	slt.u32 s8, $0xFFFFF086  }
0x1c: {  	p1 =	slt.u32 s9, $0xF7A;
	s5 =	simm.s32 @!p2 $0x0  }
0x1d: {  	s5 =	simm.s32 @p1 $0x1;
	p0 =	seq.s32 s7, s2  }
0x1e: {  	s7 =	smul.u32 @!p0 $0xF7A, s2;
	p2 =	seq.s32 @!p0 s5, $0x0  }
0x1f: {  	s9 =	smul.u32 $0xF7A, s1;
	s8 =	simm.s32 @!p0 $0x1BF5;
	p2 =	por !p2, p0  }
0x20: {  	[sflag:s8] =	ssyncset.s32 @!p0 $0xFFFFF086;
	s6 =	sadd.s32 @!p0 s3, s7;
	s7 =	simm.s32 @!p0 $0x108  }
0x21: {  	s3 =	sadd.s32 s3, s9;
	s6 =	sadd.s32 @!p0 $0x88, s6;
	s7 =	simm.s32 @p2 $0x1082  }
0x22: {  	[simem:s7], [sflag:s8] =	dma.local @!p0 [hbm:s6], $0xF7A  }
0x23: {  	s9 =	sor.u32 $0xD0000000, s2;
	s6 =	simm.s32 $0x108;
	_ =	swait.ge @!p0 [sflag:s8], $0x0  }
0x24: {  	s3 =	sadd.s32 $0x88, s3;
	s6 =	simm.s32 @!p1 $0x1082;
	[sflag:s4] =	ssyncset.s32 $0xFFFFF086  }
0x25: {  	[simem:s6], [sflag:s4] =	dma.local [hbm:s3], $0xF7A  }
0x26: {  	[smem:$0x3F9F] =	sst s1;
	(tag) =	ssettag s2;
	_ =	strace s9  }
0x27: {  	s1 =	sld [smem:$0x3FAF]  }
0x28: {  	s2 =	sld [smem:$0x3FB0]  }
0x29: {  	s4 =	sld [smem:$0x3FB2]  }
0x2a: {  	p0 =	seq.s32 s5, $0x0;
	s5 =	sld [smem:$0x3FB3]  }
0x2b: {  	s6 =	sld [smem:$0x3FB4]  }
0x2c: {  	s7 =	sld [smem:$0x3FB5]  }
0x2d: {  	s3 =	simm.s32 $0x108;
	s8 =	sld [smem:$0x3FB6]  }
0x2e: {  	s3 =	simm.s32 @!p0 $0x1082;
	s9 =	sld [smem:$0x3FB7]  }
0x2f: {  	lr =	sadd.s32 s0, s3;
	s0 =	sld [smem:$0x3FAE]  }
0x30: {  	s3 =	sld [smem:$0x3FB1]  }
0x31: {  	[smem:$0x3FBA] =	sst s10  }
0x32: {  	s10 =	sld [smem:$0x3FB8];
	_ =	sdelay $0x3  }
0x33: {  	p0 =	seq.s32 s10, $0x1;
	s10 =	sld [smem:$0x3FBA];
	_ =	sdelay $0x3  }
0x34: {  	[smem:$0x3FBA] =	sst s10  }
0x35: {  	s10 =	sld [smem:$0x3FB9];
	_ =	sdelay $0x3  }
0x36: {  	p1 =	seq.s32 s10, $0x1;
	s10 =	sld [smem:$0x3FBA];
	_ =	sdelay $0x3  }
0x37: {  	[smem:$0x3FBA] =	sst s10  }
0x38: {  	s10 =	sld [smem:$0x3FBB]  }
0x39: {  	_ = 	snop;
	(pc) =	sbr.ind lr, $3  }
0x3a: {  	_ = 	snop  }
0x3b: {  	_ = 	snop  }
0x3c: {  	p2 =	seq.s32 s10, $0x1;
	s10 =	sld [smem:$0x3FBA]  }
0x3d: {  	_ =	shalt  }
0x3e: {  	_ =	shalt  }
0x3f: {  	_ =	shalt  }
0x40: {  	_ =	shalt  }
0x41: {  	_ =	shalt  }
0x42: {  	_ =	shalt  }
0x43: {  	_ =	shalt  }
0x44: {  	_ =	shalt  }
0x45: {  	_ =	shalt  }
0x46: {  	_ =	shalt  }
0x47: {  	_ =	shalt  }
0x48: {  	_ =	shalt  }
0x49: {  	_ =	shalt  }
0x4a: {  	_ =	shalt  }
0x4b: {  	_ =	shalt  }
0x4c: {  	_ =	shalt  }
0x4d: {  	_ =	shalt  }
0x4e: {  	_ =	shalt  }
0x4f: {  	_ =	shalt  }
0x50: {  	_ =	shalt  }
0x51: {  	_ =	shalt  }
0x52: {  	_ =	shalt  }
0x53: {  	_ =	shalt  }
0x54: {  	_ =	shalt  }
0x55: {  	_ =	shalt  }
0x56: {  	_ =	shalt  }
0x57: {  	_ =	shalt  }
0x58: {  	_ =	shalt  }
0x59: {  	_ =	shalt  }
0x5a: {  	_ =	shalt  }
0x5b: {  	_ =	shalt  }
0x5c: {  	_ =	shalt  }
0x5d: {  	_ =	shalt  }
0x5e: {  	_ =	shalt  }
0x5f: {  	_ =	shalt  }
0x60: {  	_ =	shalt  }
0x61: {  	_ =	shalt  }
0x62: {  	_ =	shalt  }
0x63: {  	_ =	shalt  }
0x64: {  	_ =	shalt  }
0x65: {  	_ =	shalt  }
0x66: {  	_ =	shalt  }
0x67: {  	_ =	shalt  }
0x68: {  	_ =	shalt  }
0x69: {  	_ =	shalt  }
0x6a: {  	_ =	shalt  }
0x6b: {  	_ =	shalt  }
0x6c: {  	_ =	shalt  }
0x6d: {  	_ =	shalt  }
0x6e: {  	_ =	shalt  }
0x6f: {  	_ =	shalt  }
0x70: {  	_ =	shalt  }
0x71: {  	_ =	shalt  }
0x72: {  	_ =	shalt  }
0x73: {  	_ =	shalt  }
0x74: {  	_ =	shalt  }
0x75: {  	_ =	shalt  }
0x76: {  	_ =	shalt  }
0x77: {  	_ =	shalt  }
0x78: {  	_ =	shalt  }
0x79: {  	_ =	shalt  }
0x7a: {  	_ =	shalt  }
0x7b: {  	_ =	shalt  }
0x7c: {  	_ =	shalt  }
0x7d: {  	_ =	shalt  }
0x7e: {  	_ =	shalt  }
0x7f: {  	_ =	shalt  }
0x80: {  	_ =	shalt  }
0x81: {  	_ =	shalt  }
0x82: {  	_ =	shalt  }
0x83: {  	_ =	shalt  }
0x84: {  	_ =	shalt  }
0x85: {  	_ =	shalt  }
0x86: {  	_ =	shalt  }
0x87: {  	_ =	shalt  }
.Lfunc_end0:
.L_simem_size_0:
called_computation.1_lowered:
.L_overlay_start_0:
0x88: {  	s2 =	sld [smem:$0x3FD9]  }
0x89: {  	s3 =	sld [smem:$0x3FFE];
	_ =	sdelay $0x1  }
0x8a: {  	s1 =	srdreg.scid  }
0x8b: {  	s0 =	sand.u32 $0x1, s1  }
0x8c: {  	s17 =	sshll.u32 s0, $0xA;
	s2 =	sadd.s32 s3, s2  }
0x8d: {  	s2 =	sadd.s32 s2, s17  }
0x8e: {  	[smem:$0x3FC6] =	sst s2  }
0x8f: {  	_ = 	snop  }
0x90: {  	s2 =	sld [smem:$0x3FD0];
	(tm) =	ssettm $0x1  }
0x91: {  	s18 =	sld [smem:$0x3FFB];
	_ =	sdelay $0x3  }
0x92: {  	_ =	strace s18  }
0x93: {  	s3 =	sld [smem:$0x3FFC];
	_ =	sdelay $0x3  }
0x94: {  	_ =	strace s3  }
0x95: {  	s3 =	sld [smem:$0x3FFD];
	_ =	sdelay $0x3  }
0x96: {  	_ =	strace s3  }
0x97: {  	_ =	strace $0x8FFFFFFF  }
0x98: {  	s19 =	sld [smem:$0x3FDB];
	_ =	sdelay $0x1  }
0x99: {  	s4 =	simm.s32 $_scs_section_size  }
0x9a: {  	s5 =	simm.s32 $_size__tile_overlayer_lowered;
	s6 =	simm.s32 $_tile_overlayer_lowered  }
0x9b: {  	s22 =	simm.s32 $0x1BFF;
	s21 =	sshll.u32 s6, $0x1;
	s3 =	sadd.s32 s4, s19  }
0x9c: {  	s7 =	simm.s32 $0x0;
	s20 =	sshll.u32 s5, $0x1;
	s5 =	sadd.s32 s21, s3  }
0x9d: {  	[timem:s7], [sflag:s22] =	dma.local [hbm:s5], s20  }
0x9e: {  	_ =	swait.ge [sflag:s22], s20  }
0x9f: {  	s4 =	ssub.s32 $0x0, s20;
	[sflag:s22] =	ssyncset.done $0x0  }
0xa0: {  	[sflag:s22] =	ssyncadd.s32 s4;
	_ =	sdelay $0x1  }
0xa1: {  	s23 =	simm.s32 $0x1B8B  }
0xa2: {  	_ =	swait.ge [sflag:s23], $0x1  }
0xa3: {  	[sflag:s23] =	ssyncset.done $0x0  }
0xa4: {  	s25 =	simm.s32 $0x1B8E;
	s24 =	sld [smem:$0x3FFE];
	[sflag:s23] =	ssyncadd.s32 $0xFFFFFFFF  }
0xa5: {  	s26 =	simm.s32 $execute0_lowered;
	[smem:$0x3FD2] =	sst s25  }
0xa6: {  	s5 =	sshll.u32 s26, $0x1;
	_ =	strace $0x80000046;
	[dreg:$0x1] =	wrdreg $0xFFFFFFFF  }
0xa7: {  	s28 =	simm.s32 $_size_execute0_lowered;
	s3 =	sadd.s32 s3, s5;
	[dreg:$0x0] =	wrdreg $0x0  }
0xa8: {  	s5 =	sshll.u32 s28, $0x1;
	[dreg:$0x2] =	wrdreg s3  }
0xa9: {  	[dreg:$0x3] =	wrdreg s5  }
0xaa: {  	[dreg:$0x4] =	wrdreg $0xC0  }
0xab: {  	_ =	task [dreg:s7], $0x5FFFF  }
0xac: {  	[dreg:$0x1] =	wrdreg $0xFFFFFFFF  }
0xad: {  	[dreg:$0x0] =	wrdreg $0x60  }
0xae: {  	[dreg:$0x2] =	wrdreg s24  }
0xaf: {  	[dreg:$0x3] =	wrdreg s2  }
0xb0: {  	[dreg:$0x4] =	wrdreg $0x9  }
0xb1: {  	_ =	task.clear_ibuf [dreg:s7], $0x5FFFF;
	_ =	strace $0x90000046  }
0xb2: {  	s29 =	simm.s32 $0x9;
	_ =	strace $0x80000048  }
0xb3: {  	_ =	swait.ge [sflag:s29], $0x1  }
0xb4: {  	[sflag:s29] =	ssyncadd.s32 $0xFFFFFFFF  }
0xb5: {  	_ =	strace $0x90000048  }
0xb6: {  	_ =	sfence  }
0xb7: {  	s30 =	sld [smem:$0x0];
	_ =	sdelay $0x2  }
0xb8: {  	s31 =	sshll.u32 s1, $0xD;
	s1 =	sshrl.u32 s1, $0x2  }
0xb9: {  	s3 =	sand.u32 $0x4000, s31;
	s1 =	sadd.s32 s1, s30  }
0xba: {  	s0 =	sor.u32 s3, s0;
	s1 =	sshll.u32 s1, $0x11  }
0xbb: {  	s0 =	sor.u32 s1, s0  }
0xbc: {  	s0 =	sadd.s32 $0x8F2B, s0  }
0xbd: {  	[sflag:s0] =	ssyncadd.remote.s32 $0x1  }
0xbe: {  	_ =	sfence.sel $0xFFFF  }
0xbf: {  	[dreg:$0x0] =	wrdreg $0xFFFFFFFF;
	(pc) =	sbr.abs _section_cstart, $3  }
0xc0: {  	[dreg:$0x1] =	wrdreg $0xFFFFFFFF  }
0xc1: {  	_ =	task.clear_ibuf [dreg:s7], $0x2FFFF;
	_ =	strace $0x9FFFFFFF  }
0xc2: {  	(tm) =	ssettm $0x7FFFFFFF  }
0xc3: {  	_ =	shalt  }
tec
execute0_lowered:
.L_overlay_start_1:
0x0: {  	(tag) =	ssettag $0x1  }
0x1: {  	s0 =	rddreg [dreg:$0x0]  }
0x2: {  	s1 =	rddreg [dreg:$0x1]  }
0x3: {  	s3 =	srdreg.scid;
	s8 =	stileid.u32  }
0x4: {  	s2 =	simm.s32 $0x0;
	s15 =	simm.s32 $0xC0;
	s16 =	simm.s32 $0x7D00  }
0x5: {  	s17 =	simm.s32 $0xF0;
	s18 =	simm.s32 $0x8340;
	s19 =	simm.s32 $0x120  }
0x6: {  	s20 =	simm.s32 $0x8980;
	s21 =	simm.s32 $0x150;
	s22 =	simm.s32 $0x8FC0  }
0x7: {  	s23 =	simm.s32 $0x10;
	s28 =	simm.s32 $0x5;
	s29 =	simm.s32 $0x6  }
0x8: {  	s4 =	sand.u32 $0x1, s3;
	s24 =	sshll.u32 s8, $0x1;
	s8 =	smul.u32 $0x32000, s8  }
0x9: {  	[smem:$0x7FF] =	sst s2;
	s3 =	sor.u32 s4, s24;
	s26 =	smul.u32 $0x19000, s4  }
0xa: {  	s30 =	simm.s32 $0x0;
	_ =	strace $0x80000047;
	s5 =	smul.u32 $0xC80, s3  }
.Ltmp0:
0xb: {  	v0 =	vlaneseq.u32;
	s6 =	ssub.s32 $0x2, s4;
	s24 =	simm.s32 $0x180;
	(pc) =	sbr.rel .LBB2_1-.Ltmp0, $4  }
0xc: {  	v1 =	vand.u32 $0x1, v0;
	s3 =	sadd.s32 $0x1400, s0;
	s7 =	sshrl.u32 s6, $0x1;
	s31 =	sadd.s32 s8, s1  }
0xd: {  	v0 =	vmul.u32 $0x40, v0;
	v3 =	vmul.u32 $0x40, v1;
	s8 =	simm.s32 $0x30;
	s25 =	ssub.s32 s6, s7;
	s6 =	sadd.s32 s26, s31  }
0xe: {  	s7 =	simm.s32 $0x7;
	s26 =	simm.s32 $0x4;
	s0 =	sadd.s32 s5, s0  }
0xf: {  	v1 =	vor.u32 $0x400, v0;
	v2 =	vor.u32 $0x800, v0;
	v3 =	vor.u32 $0xC00, v3;
	s5 =	smax.u32 s25, $0x1;
	s25 =	simm.s32 $0xFA00;
	s4 =	sadd.s32 $0x4600, s0  }
.LBB2_9:
0x10: {  	_ =	swait.ge [sflag:s26], $0x3200  }
0x11: {  	[sflag:s26] =	ssyncset.done $0x0  }
0x12: {  	s30 =	sadd.s32 $0x1, s30;
	[sflag:s26] =	ssyncadd.s32 $0xFFFFCE00  }
0x13: {  	p0 =	sne.s32 s30, s5;
	_ =	swait.ge [sflag:s28], $0x3200  }
.Ltmp1:
0x14: {  	[sflag:s28] =	ssyncset.done $0x0;
	(pc) =	sbr.rel @!p0 .LBB2_10-.Ltmp1, $4  }
0x15: {  	[sflag:s28] =	ssyncadd.s32 $0xFFFFCE00  }
0x16: {  	_ =	swait.ge [sflag:s29], $0x3200  }
0x17: {  	[sflag:s29] =	ssyncset.done $0x0  }
0x18: {  	[sflag:s29] =	ssyncadd.s32 $0xFFFFCE00  }
.LBB2_1:
0x19: {  	[tilespmem:s2], [sflag:$0x7] =	stream.linear.gather [hbm4b:s4+s2], $0x6400, $0x38;
	[tilespmem:$0x10000] =	vst v63  }
0x1a: {  	_ =	swait.ge [sflag:s7], $0x6400  }
0x1b: {  	[sflag:s7] =	ssyncset.done $0x0  }
0x1c: {  	s31 =	simm.s32 $0x0;
	[sflag:s7] =	ssyncadd.s32 $0xFFFF9C00  }
0x1d: {  	v4 =	vld [tilespmem:s31+$0x0]  }
0x1e: {  	v5 =	vld [tilespmem:s31+$0x10]  }
0x1f: {  	v6 =	vld [tilespmem:s31+$0x20]  }
0x20: {  	v7 =	vld [tilespmem:s31+$0x30]  }
0x21: {  	v8 =	vld [tilespmem:s31+$0x40]  }
0x22: {  	v9 =	vld [tilespmem:s31+$0x50];
	v4 =	vadd.s32 v0, v4  }
0x23: {  	[tilespmem:s31+$0x0] =	vst v4;
	v4 =	vadd.s32 v1, v5;
	v5 =	vld [tilespmem:s31+$0x60]  }
0x24: {  	[tilespmem:s31+$0x10] =	vst v4;
	v4 =	vadd.s32 v2, v6;
	v6 =	vld [tilespmem:s31+$0x70]  }
0x25: {  	[tilespmem:s31+$0x20] =	vst v4;
	v4 =	vadd.s32 v0, v7;
	v7 =	vld [tilespmem:s31+$0x80]  }
0x26: {  	[tilespmem:s31+$0x30] =	vst v4;
	v4 =	vadd.s32 v1, v8;
	v8 =	vld [tilespmem:s31+$0x90]  }
0x27: {  	[tilespmem:s31+$0x40] =	vst v4;
	v4 =	vadd.s32 v2, v9;
	v9 =	vld [tilespmem:s31+$0xA0]  }
0x28: {  	[tilespmem:s31+$0x50] =	vst v4;
	v4 =	vadd.s32 v0, v5;
	v5 =	vld [tilespmem:s31+$0xB0]  }
0x29: {  	[tilespmem:s31+$0x60] =	vst v4;
	v4 =	vadd.s32 v1, v6;
	v6 =	vld [tilespmem:s31+$0xC0]  }
0x2a: {  	[tilespmem:s31+$0x70] =	vst v4;
	v4 =	vadd.s32 v2, v7;
	v7 =	vld [tilespmem:s31+$0xD0]  }
0x2b: {  	[tilespmem:s31+$0x80] =	vst v4;
	v4 =	vadd.s32 v0, v8;
	v8 =	vld [tilespmem:s31+$0xE0]  }
0x2c: {  	[tilespmem:s31+$0x90] =	vst v4;
	v4 =	vadd.s32 v1, v9;
	v9 =	vld [tilespmem:s31+$0xF0]  }
0x2d: {  	v10 =	vld [tilespmem:s31+$0x100];
	[tilespmem:s31+$0xA0] =	vst v4;
	v4 =	vadd.s32 v2, v5  }
0x2e: {  	v11 =	vld [tilespmem:s31+$0x110];
	[tilespmem:s31+$0xB0] =	vst v4;
	v4 =	vadd.s32 v0, v6  }
0x2f: {  	v12 =	vld [tilespmem:s31+$0x120];
	[tilespmem:s31+$0xC0] =	vst v4;
	v4 =	vadd.s32 v1, v7  }
0x30: {  	v5 =	vld [tilespmem:s31+$0x130];
	[tilespmem:s31+$0xD0] =	vst v4;
	v4 =	vadd.s32 v2, v8  }
0x31: {  	[tilespmem:s31+$0xE0] =	vst v4;
	v6 =	vadd.s32 v0, v9;
	v4 =	vld [tilespmem:s31+$0x140]  }
0x32: {  	v7 =	vadd.s32 v1, v10;
	[tilespmem:s31+$0xF0] =	vst v6;
	v6 =	vld [tilespmem:s31+$0x150]  }
0x33: {  	[tilespmem:s31+$0x100] =	vst v7;
	v8 =	vadd.s32 v2, v11;
	v7 =	vld [tilespmem:s31+$0x160]  }
0x34: {  	s0 =	simm.s32 $0x640;
	[tilespmem:s31+$0x110] =	vst v8;
	v9 =	vadd.s32 v0, v12;
	v8 =	vld [tilespmem:s31+$0x170]  }
.LBB2_2:
0x35: {  	s1 =	sshra.s32 s0, $0x2;
	p0 =	sne.s32 s0, $0x189C0;
	[tilespmem:s31+$0x120] =	vst v9;
	v5 =	vadd.s32 v1, v5;
	v9 =	vld [tilespmem:s31+$0x180]  }
0x36: {  	v10 =	vld [tilespmem:s1+$0x0];
	[tilespmem:s31+$0x130] =	vst v5;
	v4 =	vadd.s32 v2, v4  }
0x37: {  	v5 =	vld [tilespmem:s1+$0x10];
	[tilespmem:s31+$0x140] =	vst v4;
	v4 =	vadd.s32 v0, v6  }
0x38: {  	v6 =	vld [tilespmem:s1+$0x20];
	[tilespmem:s31+$0x150] =	vst v4;
	v4 =	vadd.s32 v1, v7  }
0x39: {  	v7 =	vld [tilespmem:s1+$0x30];
	[tilespmem:s31+$0x160] =	vst v4;
	v4 =	vadd.s32 v2, v8  }
0x3a: {  	v8 =	vld [tilespmem:s1+$0x40];
	[tilespmem:s31+$0x170] =	vst v4;
	v4 =	vadd.s32 v3, v9  }
0x3b: {  	v9 =	vadd.s32 v0, v10;
	v10 =	vld [tilespmem:s1+$0x50];
	[tilespmem:s31+$0x180] =	vst v4;
	s31 =	smov.u32 s1  }
0x3c: {  	[tilespmem:s31+$0x0] =	vst v9;
	v4 =	vadd.s32 v1, v5;
	v5 =	vld [tilespmem:s31+$0x60]  }
0x3d: {  	[tilespmem:s31+$0x10] =	vst v4;
	v4 =	vadd.s32 v2, v6;
	v6 =	vld [tilespmem:s31+$0x70]  }
0x3e: {  	[tilespmem:s31+$0x20] =	vst v4;
	v4 =	vadd.s32 v0, v7;
	v7 =	vld [tilespmem:s31+$0x80]  }
0x3f: {  	[tilespmem:s31+$0x30] =	vst v4;
	v4 =	vadd.s32 v1, v8;
	v8 =	vld [tilespmem:s31+$0x90]  }
0x40: {  	[tilespmem:s31+$0x40] =	vst v4;
	v4 =	vadd.s32 v2, v10;
	v9 =	vld [tilespmem:s31+$0xA0]  }
0x41: {  	[tilespmem:s31+$0x50] =	vst v4;
	v4 =	vadd.s32 v0, v5;
	v5 =	vld [tilespmem:s31+$0xB0]  }
0x42: {  	[tilespmem:s31+$0x60] =	vst v4;
	v4 =	vadd.s32 v1, v6;
	v6 =	vld [tilespmem:s31+$0xC0]  }
0x43: {  	[tilespmem:s31+$0x70] =	vst v4;
	v4 =	vadd.s32 v2, v7;
	v7 =	vld [tilespmem:s31+$0xD0]  }
0x44: {  	[tilespmem:s31+$0x80] =	vst v4;
	v4 =	vadd.s32 v0, v8;
	v8 =	vld [tilespmem:s31+$0xE0]  }
0x45: {  	[tilespmem:s31+$0x90] =	vst v4;
	v4 =	vadd.s32 v1, v9;
	v9 =	vld [tilespmem:s31+$0xF0]  }
0x46: {  	[tilespmem:s31+$0xA0] =	vst v4;
	v4 =	vadd.s32 v2, v5;
	v10 =	vld [tilespmem:s31+$0x100]  }
0x47: {  	[tilespmem:s31+$0xB0] =	vst v4;
	v4 =	vadd.s32 v0, v6;
	v11 =	vld [tilespmem:s31+$0x110]  }
0x48: {  	[tilespmem:s31+$0xC0] =	vst v4;
	v4 =	vadd.s32 v1, v7;
	v12 =	vld [tilespmem:s31+$0x120]  }
.Ltmp2:
0x49: {  	[tilespmem:s31+$0xD0] =	vst v4;
	v4 =	vadd.s32 v2, v8;
	v5 =	vld [tilespmem:s31+$0x130];
	(pc) =	sbr.rel @p0 .LBB2_2-.Ltmp2, $4  }
0x4a: {  	[tilespmem:s31+$0xE0] =	vst v4;
	v6 =	vadd.s32 v0, v9;
	v4 =	vld [tilespmem:s31+$0x140]  }
0x4b: {  	[tilespmem:s31+$0xF0] =	vst v6;
	v7 =	vadd.s32 v1, v10;
	v6 =	vld [tilespmem:s31+$0x150]  }
0x4c: {  	[tilespmem:s31+$0x100] =	vst v7;
	v8 =	vadd.s32 v2, v11;
	v7 =	vld [tilespmem:s31+$0x160]  }
0x4d: {  	s0 =	sadd.s32 $0x640, s0;
	[tilespmem:s31+$0x110] =	vst v8;
	v9 =	vadd.s32 v0, v12;
	v8 =	vld [tilespmem:s31+$0x170]  }
0x4e: {  	[tilespmem:s31+$0x120] =	vst v9;
	v5 =	vadd.s32 v1, v5;
	v63 =	vld [tilespmem:s31+$0x180]  }
0x4f: {  	[tilespmem:s31+$0x130] =	vst v5;
	v4 =	vadd.s32 v2, v4  }
0x50: {  	[tilespmem:s31+$0x140] =	vst v4;
	v4 =	vadd.s32 v0, v6  }
0x51: {  	[tilespmem:s31+$0x150] =	vst v4;
	v4 =	vadd.s32 v1, v7  }
0x52: {  	[tilespmem:s31+$0x160] =	vst v4;
	v4 =	vadd.s32 v2, v8  }
0x53: {  	[tilespmem:s31+$0x170] =	vst v4;
	v4 =	vadd.s32 v3, v63  }
0x54: {  	s0 =	simm.s32 $0x6400;
	[tilespmem:s31+$0x180] =	vst v4;
	s31 =	simm.s32 $0x0  }
0x55: {  	[tilespmem:s0], [sflag:$0x1] =	stream.indirect.gather [hbm4b:s3+s8], $0x20, s31, s8, $0xb8;
	[tilespmem:$0x10000] =	vst v63  }
0x56: {  	s11 =	simm.s32 $0x6A40  }
0x57: {  	[tilespmem:s11], [sflag:$0x1] =	stream.indirect.gather [hbm4b:s3+s8], $0x20, s8, s8, $0xb8;
	[tilespmem:$0x10000] =	vst v63  }
0x58: {  	s12 =	simm.s32 $0x60;
	s1 =	simm.s32 $0x7080  }
0x59: {  	[tilespmem:s1], [sflag:$0x1] =	stream.indirect.gather [hbm4b:s3+s8], $0x20, s12, s8, $0xb8;
	[tilespmem:$0x10000] =	vst v63  }
0x5a: {  	s13 =	simm.s32 $0x90;
	s14 =	simm.s32 $0x76C0  }
0x5b: {  	[tilespmem:s14], [sflag:$0x1] =	stream.indirect.gather [hbm4b:s3+s8], $0x20, s13, s8, $0xb8;
	[tilespmem:$0x10000] =	vst v63  }
0x5c: {  	_ = 	snop  }
0x5d: {  	[tilespmem:s16], [sflag:$0x1] =	stream.indirect.gather [hbm4b:s3+s8], $0x20, s15, s8, $0xb8;
	[tilespmem:$0x10000] =	vst v63  }
0x5e: {  	_ = 	snop  }
0x5f: {  	[tilespmem:s18], [sflag:$0x1] =	stream.indirect.gather [hbm4b:s3+s8], $0x20, s17, s8, $0xb8;
	[tilespmem:$0x10000] =	vst v63  }
0x60: {  	_ = 	snop  }
0x61: {  	[tilespmem:s20], [sflag:$0x1] =	stream.indirect.gather [hbm4b:s3+s8], $0x20, s19, s8, $0xb8;
	[tilespmem:$0x10000] =	vst v63  }
.Ltmp3:
0x62: {  	_ = 	snop;
	(pc) =	sbr.rel .LBB2_4-.Ltmp3, $4  }
0x63: {  	_ = 	snop  }
0x64: {  	[tilespmem:s22], [sflag:$0x1] =	stream.indirect.gather [hbm4b:s3+s8], $0x20, s21, s8, $0xb8;
	[tilespmem:$0x10000] =	vst v63  }
0x65: {  	s0 =	simm.s32 $0xFFFFFFFE  }
0x66: {  	[tilespmem:s25], [sflag:$0x1] =	stream.indirect.gather [hbm4b:s3+s23], $0x20, s24, s23, $0xb8;
	[tilespmem:$0x10000] =	vst v63  }
.LBB2_5:
0x67: {  	s10 =	sadd.s32 $0x4, s9  }
0x68: {  	_ =	swait.ge [sflag:s10], $0x3200  }
0x69: {  	[sflag:s10] =	ssyncset.done $0x0  }
0x6a: {  	[sflag:s10] =	ssyncadd.s32 $0xFFFFCE00  }
.LBB2_7:
0x6b: {  	s10 =	smul.u32 $0xC800, s9;
	_ =	sdelay $0x1  }
0x6c: {  	s11 =	sshra.s32 s31, $0x2;
	s10 =	sshrl.u32 s10, $0x2  }
0x6d: {  	s14 =	sadd.s32 $0x1, s9;
	s13 =	sadd.s32 $0x190, s11;
	s12 =	sadd.s32 $0x6400, s10  }
0x6e: {  	[tilespmem:s12], [sflag:s14] =	stream.indirect.gather [hbm4b:s3+s8], $0x20, s13, s8, $0xb8;
	[tilespmem:$0x10000] =	vst v63  }
0x6f: {  	s12 =	sadd.s32 $0x6A40, s10;
	s13 =	sadd.s32 $0x1C0, s11  }
0x70: {  	[tilespmem:s12], [sflag:s14] =	stream.indirect.gather [hbm4b:s3+s8], $0x20, s13, s8, $0xb8;
	[tilespmem:$0x10000] =	vst v63  }
0x71: {  	s12 =	sadd.s32 $0x7080, s10;
	s13 =	sadd.s32 $0x1F0, s11  }
0x72: {  	[tilespmem:s12], [sflag:s14] =	stream.indirect.gather [hbm4b:s3+s8], $0x20, s13, s8, $0xb8;
	[tilespmem:$0x10000] =	vst v63  }
0x73: {  	s12 =	sadd.s32 $0x76C0, s10;
	s13 =	sadd.s32 $0x220, s11  }
0x74: {  	[tilespmem:s12], [sflag:s14] =	stream.indirect.gather [hbm4b:s3+s8], $0x20, s13, s8, $0xb8;
	[tilespmem:$0x10000] =	vst v63  }
0x75: {  	s12 =	sadd.s32 $0x7D00, s10;
	s13 =	sadd.s32 $0x250, s11  }
0x76: {  	[tilespmem:s12], [sflag:s14] =	stream.indirect.gather [hbm4b:s3+s8], $0x20, s13, s8, $0xb8;
	[tilespmem:$0x10000] =	vst v63  }
0x77: {  	s12 =	sadd.s32 $0x8340, s10;
	s13 =	sadd.s32 $0x280, s11  }
0x78: {  	[tilespmem:s12], [sflag:s14] =	stream.indirect.gather [hbm4b:s3+s8], $0x20, s13, s8, $0xb8;
	[tilespmem:$0x10000] =	vst v63  }
0x79: {  	s12 =	sadd.s32 $0x8980, s10;
	s13 =	sadd.s32 $0x2B0, s11  }
0x7a: {  	[tilespmem:s12], [sflag:s14] =	stream.indirect.gather [hbm4b:s3+s8], $0x20, s13, s8, $0xb8;
	[tilespmem:$0x10000] =	vst v63  }
0x7b: {  	s10 =	sadd.s32 $0x8FC0, s10;
	s13 =	sadd.s32 $0x2E0, s11;
	s12 =	sshll.u32 s9, $0x9  }
0x7c: {  	[tilespmem:s10], [sflag:s14] =	stream.indirect.gather [hbm4b:s3+s8], $0x20, s13, s8, $0xb8;
	[tilespmem:$0x10000] =	vst v63  }
0x7d: {  	s9 =	sadd.s32 $0xFA00, s12;
	s13 =	sadd.s32 $0x310, s11  }
0x7e: {  	[tilespmem:s9], [sflag:s14] =	stream.indirect.gather [hbm4b:s3+s23], $0x20, s13, s23, $0xb8;
	[tilespmem:$0x10000] =	vst v63  }
.LBB2_8:
0x7f: {  	s1 =	sadd.s32 $0x156, s1  }
0x80: {  	s1 =	sshrl.u32 s1, $0x9  }
0x81: {  	s1 =	sand.u32 $0x7F, s1  }
0x82: {  	s1 =	smul.u32 $0x3, s1;
	_ =	sdelay $0x1  }
0x83: {  	s1 =	ssub.s32 s0, s1  }
0x84: {  	s1 =	sadd.s32 $0x2, s1  }
0x85: {  	s1 =	sand.u32 $0xFF, s1  }
0x86: {  	s9 =	sadd.s32 $0x1, s1  }
0x87: {  	_ =	swait.ge [sflag:s9], $0x3000  }
0x88: {  	[sflag:s9] =	ssyncset.done $0x0  }
0x89: {  	[sflag:s9] =	ssyncadd.s32 $0xFFFFD000  }
0x8a: {  	_ =	swait.ge [sflag:s9], $0x200  }
0x8b: {  	[sflag:s9] =	ssyncset.done $0x0  }
0x8c: {  	s12 =	sshll.u32 s1, $0x9;
	[sflag:s9] =	ssyncadd.s32 $0xFFFFFE00  }
0x8d: {  	v4 =	vld [tilespmem:s12+$0xFA00];
	_ =	sdelay $0x1  }
0x8e: {  	s10 =	smul.u32 $0xC800, s1;
	_ =	sdelay $0x1  }
0x8f: {  	s10 =	sshrl.u32 s10, $0x2  }
0x90: {  	[tilespmem:s10+$0x6A00] =	vst v4  }
0x91: {  	v4 =	vld [tilespmem:s12+$0xFA10];
	_ =	sdelay $0x4  }
0x92: {  	[tilespmem:s10+$0x6A10] =	vst v4  }
0x93: {  	v4 =	vld [tilespmem:s12+$0xFA20];
	_ =	sdelay $0x4  }
0x94: {  	[tilespmem:s10+$0x6A20] =	vst v4  }
0x95: {  	v4 =	vld [tilespmem:s12+$0xFA30];
	_ =	sdelay $0x4  }
0x96: {  	[tilespmem:s10+$0x6A30] =	vst v4  }
0x97: {  	v4 =	vld [tilespmem:s12+$0xFA40];
	_ =	sdelay $0x4  }
0x98: {  	[tilespmem:s10+$0x7040] =	vst v4  }
0x99: {  	v4 =	vld [tilespmem:s12+$0xFA50];
	_ =	sdelay $0x4  }
0x9a: {  	[tilespmem:s10+$0x7050] =	vst v4  }
0x9b: {  	v4 =	vld [tilespmem:s12+$0xFA60];
	_ =	sdelay $0x4  }
0x9c: {  	[tilespmem:s10+$0x7060] =	vst v4  }
0x9d: {  	v4 =	vld [tilespmem:s12+$0xFA70];
	_ =	sdelay $0x4  }
0x9e: {  	[tilespmem:s10+$0x7070] =	vst v4  }
0x9f: {  	v4 =	vld [tilespmem:s12+$0xFA80];
	_ =	sdelay $0x4  }
0xa0: {  	[tilespmem:s10+$0x7680] =	vst v4  }
0xa1: {  	v4 =	vld [tilespmem:s12+$0xFA90];
	_ =	sdelay $0x4  }
0xa2: {  	[tilespmem:s10+$0x7690] =	vst v4  }
0xa3: {  	v4 =	vld [tilespmem:s12+$0xFAA0];
	_ =	sdelay $0x4  }
0xa4: {  	[tilespmem:s10+$0x76A0] =	vst v4  }
0xa5: {  	v4 =	vld [tilespmem:s12+$0xFAB0];
	_ =	sdelay $0x4  }
0xa6: {  	[tilespmem:s10+$0x76B0] =	vst v4  }
0xa7: {  	v4 =	vld [tilespmem:s12+$0xFAC0];
	_ =	sdelay $0x4  }
0xa8: {  	[tilespmem:s10+$0x7CC0] =	vst v4  }
0xa9: {  	v4 =	vld [tilespmem:s12+$0xFAD0];
	_ =	sdelay $0x4  }
0xaa: {  	[tilespmem:s10+$0x7CD0] =	vst v4  }
0xab: {  	v4 =	vld [tilespmem:s12+$0xFAE0];
	_ =	sdelay $0x4  }
0xac: {  	[tilespmem:s10+$0x7CE0] =	vst v4  }
0xad: {  	v4 =	vld [tilespmem:s12+$0xFAF0];
	_ =	sdelay $0x4  }
0xae: {  	[tilespmem:s10+$0x7CF0] =	vst v4  }
0xaf: {  	v4 =	vld [tilespmem:s12+$0xFB00];
	_ =	sdelay $0x4  }
0xb0: {  	[tilespmem:s10+$0x8300] =	vst v4  }
0xb1: {  	v4 =	vld [tilespmem:s12+$0xFB10];
	_ =	sdelay $0x4  }
0xb2: {  	[tilespmem:s10+$0x8310] =	vst v4  }
0xb3: {  	v4 =	vld [tilespmem:s12+$0xFB20];
	_ =	sdelay $0x4  }
0xb4: {  	[tilespmem:s10+$0x8320] =	vst v4  }
0xb5: {  	v4 =	vld [tilespmem:s12+$0xFB30];
	_ =	sdelay $0x4  }
0xb6: {  	[tilespmem:s10+$0x8330] =	vst v4  }
0xb7: {  	v4 =	vld [tilespmem:s12+$0xFB40];
	_ =	sdelay $0x4  }
0xb8: {  	[tilespmem:s10+$0x8940] =	vst v4  }
0xb9: {  	v4 =	vld [tilespmem:s12+$0xFB50];
	_ =	sdelay $0x4  }
0xba: {  	[tilespmem:s10+$0x8950] =	vst v4  }
0xbb: {  	v4 =	vld [tilespmem:s12+$0xFB60];
	_ =	sdelay $0x4  }
0xbc: {  	[tilespmem:s10+$0x8960] =	vst v4  }
0xbd: {  	v4 =	vld [tilespmem:s12+$0xFB70];
	_ =	sdelay $0x4  }
0xbe: {  	[tilespmem:s10+$0x8970] =	vst v4  }
0xbf: {  	v4 =	vld [tilespmem:s12+$0xFB80];
	_ =	sdelay $0x4  }
0xc0: {  	[tilespmem:s10+$0x8F80] =	vst v4  }
0xc1: {  	v4 =	vld [tilespmem:s12+$0xFB90];
	_ =	sdelay $0x4  }
0xc2: {  	[tilespmem:s10+$0x8F90] =	vst v4  }
0xc3: {  	v4 =	vld [tilespmem:s12+$0xFBA0];
	_ =	sdelay $0x4  }
0xc4: {  	[tilespmem:s10+$0x8FA0] =	vst v4  }
0xc5: {  	v4 =	vld [tilespmem:s12+$0xFBB0];
	_ =	sdelay $0x4  }
0xc6: {  	[tilespmem:s10+$0x8FB0] =	vst v4  }
0xc7: {  	v4 =	vld [tilespmem:s12+$0xFBC0];
	_ =	sdelay $0x4  }
0xc8: {  	[tilespmem:s10+$0x95C0] =	vst v4  }
0xc9: {  	v4 =	vld [tilespmem:s12+$0xFBD0];
	_ =	sdelay $0x4  }
0xca: {  	[tilespmem:s10+$0x95D0] =	vst v4  }
0xcb: {  	v4 =	vld [tilespmem:s12+$0xFBE0];
	_ =	sdelay $0x4  }
0xcc: {  	[tilespmem:s10+$0x95E0] =	vst v4  }
0xcd: {  	s14 =	sadd.s32 s31, s6;
	s31 =	sadd.s32 $0x640, s31;
	v4 =	vld [tilespmem:s12+$0xFBF0]  }
0xce: {  	p0 =	sne.s32 s31, $0x19000  }
.Ltmp4:
0xcf: {  	_ = 	snop;
	(pc) =	sbr.rel @!p0 .LBB2_9-.Ltmp4, $3  }
0xd0: {  	_ =	sdelay $0x1  }
0xd1: {  	s0 =	sadd.s32 $0x1, s0;
	s1 =	sadd.s32 $0x4, s1;
	s13 =	sadd.s32 $0x6400, s10;
	[tilespmem:s10+$0x95F0] =	vst v4  }
0xd2: {  	[hbm4b:s14+s2] =	stream.linear.scatter [tilespmem:s13], [sflag:s1], $0x3200, $0x38;
	[tilespmem:$0x10000] =	vst v63  }
.LBB2_4:
0xd3: {  	s1 =	smul.u32 $0xAB, s0;
	_ =	sdelay $0x1  }
0xd4: {  	s9 =	sadd.s32 $0x201, s1  }
0xd5: {  	s9 =	sshrl.u32 s9, $0x9  }
0xd6: {  	s9 =	sand.u32 $0x7F, s9  }
0xd7: {  	p0 =	sgt.u32 s0, $0x3C;
	s9 =	smul.u32 $0x3, s9  }
.Ltmp5:
0xd8: {  	_ = 	snop;
	(pc) =	sbr.rel @!p0 .LBB2_5-.Ltmp5, $4  }
0xd9: {  	_ = 	snop  }
0xda: {  	s9 =	ssub.s32 s0, s9  }
0xdb: {  	s9 =	sadd.s32 $0x3, s9  }
0xdc: {  	s9 =	sand.u32 $0xFF, s9  }
0xdd: {  	p0 =	seq.s32 s31, $0x189C0  }
.Ltmp6:
0xde: {  	_ = 	snop;
	(pc) =	sbr.rel @p0 .LBB2_8-.Ltmp6, $4  }
.Ltmp7:
0xdf: {  	_ = 	snop;
	(pc) =	sbr.rel @!p0 .LBB2_7-.Ltmp7, $4  }
0xe0: {  	_ = 	snop  }
0xe1: {  	_ = 	snop  }
0xe2: {  	_ = 	snop  }
0xe3: {  	_ = 	snop  }
.LBB2_10:
0xe4: {  	_ =	sfence.sel $0x180000  }
0xe5: {  	[bflag:$0x0] =	sbarrier.arrive $0xFFFF  }
0xe6: {  	_ =	strace $0x90000047  }
0xe7: {  	s0 =	stileid.u32;
	[bflag:$0x2] =	sbarrier.arrive $0xFFFF  }
0xe8: {  	p0 =	sne.s32 s0, $0x0;
	s0 =	rddreg [dreg:$0x2]  }
0xe9: {  	s0 =	sadd.s32 @!p0 $0x100000, s0  }
0xea: {  	[sflag:s0] =	ssyncadd.tile.s32 @!p0 $0x1;
	_ =	shalt  }
.Lfunc_end2:
_tile_overlayer_lowered:
.L_overlay_start_2:
0xeb: {  	(tag) =	ssettag $0x2  }
0xec: {  	s0 =	rddreg [dreg:$0x0];
	s2 =	stileid.u32  }
0xed: {  	s1 =	rddreg [dreg:$0x1];
	p0 =	sne.s32 s2, $0x0  }
0xee: {  	s3 =	rddreg [dreg:$0x2];
	[bflag:$0x3] =	sbarrier.arrive $0xFFFF;
	s2 =	simm.s32 @!p0 $0x1C07  }
0xef: {  	[timem:s3], [sflag:s2] =	dma.local @!p0 [hbm:s0], s1  }
0xf0: {  	s0 =	simm.s32 @!p0 $0x7  }
0xf1: {  	_ =	swait.ge @!p0 [sflag:s0], s1  }
0xf2: {  	s1 =	ssub.s32 @!p0 $0x0, s1;
	[sflag:s0] =	ssyncset.done @!p0 $0x0  }
0xf3: {  	[sflag:s0] =	ssyncadd.s32 @!p0 s1  }
0xf4: {  	[bflag:$0x3] =	sbarrier.arrive $0xFFFF  }
0xf5: {  	_ =	shalt  }

// kernel: sparse-core-data-format-call.cloned.1.call-start
scs
called_computation_lowered:
.L_overlay_start_0:
0x0: {  	s2 =	sld [smem:$0x3FD9]  }
0x1: {  	s3 =	sld [smem:$0x3FFE];
	_ =	sdelay $0x1  }
0x2: {  	s1 =	srdreg.scid  }
0x3: {  	s0 =	sand.u32 $0x1, s1  }
0x4: {  	s18 =	sshll.u32 s0, $0xA;
	s2 =	sadd.s32 s3, s2  }
0x5: {  	s2 =	sadd.s32 s2, s18  }
0x6: {  	[smem:$0x3FC6] =	sst s2  }
0x7: {  	_ = 	snop  }
0x8: {  	s2 =	sld [smem:$0x3FD0];
	(tm) =	ssettm $0x1  }
0x9: {  	s19 =	sld [smem:$0x3FFB];
	_ =	sdelay $0x3  }
0xa: {  	_ =	strace s19  }
0xb: {  	s3 =	sld [smem:$0x3FFC];
	_ =	sdelay $0x3  }
0xc: {  	_ =	strace s3  }
0xd: {  	s3 =	sld [smem:$0x3FFD];
	_ =	sdelay $0x3  }
0xe: {  	_ =	strace s3  }
0xf: {  	_ =	strace $0x8FFFFFFF  }
0x10: {  	s20 =	sld [smem:$0x3FDB];
	_ =	sdelay $0x1  }
0x11: {  	s4 =	simm.s32 $_scs_section_size  }
0x12: {  	s5 =	simm.s32 $_size__tile_overlayer_lowered;
	s6 =	simm.s32 $_tile_overlayer_lowered  }
0x13: {  	s23 =	simm.s32 $0x1BFF;
	s22 =	sshll.u32 s6, $0x1;
	s3 =	sadd.s32 s4, s20  }
0x14: {  	s7 =	simm.s32 $0x0;
	s21 =	sshll.u32 s5, $0x1;
	s5 =	sadd.s32 s22, s3  }
0x15: {  	[timem:s7], [sflag:s23] =	dma.local [hbm:s5], s21  }
0x16: {  	_ =	swait.ge [sflag:s23], s21  }
0x17: {  	s4 =	ssub.s32 $0x0, s21;
	[sflag:s23] =	ssyncset.done $0x0  }
0x18: {  	[sflag:s23] =	ssyncadd.s32 s4;
	_ =	sdelay $0x1  }
0x19: {  	s24 =	simm.s32 $0x1B8B  }
0x1a: {  	_ =	swait.ge [sflag:s24], $0x1  }
0x1b: {  	[sflag:s24] =	ssyncset.done $0x0  }
0x1c: {  	s26 =	simm.s32 $0x1B8E;
	s25 =	sld [smem:$0x3FFE];
	[sflag:s24] =	ssyncadd.s32 $0xFFFFFFFF  }
0x1d: {  	s27 =	simm.s32 $execute0_lowered;
	[smem:$0x3FD2] =	sst s26  }
0x1e: {  	s5 =	sshll.u32 s27, $0x1;
	_ =	strace $0x80000049;
	[dreg:$0x1] =	wrdreg $0xFFFFFFFF  }
0x1f: {  	s28 =	simm.s32 $_size_execute0_lowered;
	s3 =	sadd.s32 s3, s5;
	[dreg:$0x0] =	wrdreg $0x0  }
0x20: {  	s5 =	sshll.u32 s28, $0x1;
	[dreg:$0x2] =	wrdreg s3  }
0x21: {  	[dreg:$0x3] =	wrdreg s5  }
0x22: {  	[dreg:$0x4] =	wrdreg $0xC0  }
0x23: {  	_ =	task [dreg:s7], $0x5FFFF  }
0x24: {  	[dreg:$0x1] =	wrdreg $0xFFFFFFFF  }
0x25: {  	[dreg:$0x0] =	wrdreg $0x60  }
0x26: {  	[dreg:$0x2] =	wrdreg s25  }
0x27: {  	[dreg:$0x3] =	wrdreg s2  }
0x28: {  	[dreg:$0x4] =	wrdreg $0x9  }
0x29: {  	_ =	task.clear_ibuf [dreg:s7], $0x5FFFF;
	_ =	strace $0x90000049  }
0x2a: {  	s29 =	simm.s32 $0x9;
	_ =	strace $0x8000004B  }
0x2b: {  	_ =	swait.ge [sflag:s29], $0x1  }
0x2c: {  	[sflag:s29] =	ssyncadd.s32 $0xFFFFFFFF  }
0x2d: {  	_ =	strace $0x9000004B  }
0x2e: {  	_ =	sfence  }
0x2f: {  	s30 =	sld [smem:$0x0];
	_ =	sdelay $0x2  }
0x30: {  	s31 =	sshll.u32 s1, $0xD;
	s1 =	sshrl.u32 s1, $0x2  }
0x31: {  	s3 =	sand.u32 $0x4000, s31;
	s1 =	sadd.s32 s1, s30  }
0x32: {  	s0 =	sor.u32 s3, s0;
	s1 =	sshll.u32 s1, $0x11  }
0x33: {  	s0 =	sor.u32 s1, s0  }
0x34: {  	s0 =	sadd.s32 $0x8F2B, s0  }
0x35: {  	[sflag:s0] =	ssyncadd.remote.s32 $0x1  }
0x36: {  	_ =	sfence.sel $0xFFFF  }
0x37: {  	[dreg:$0x0] =	wrdreg $0xFFFFFFFF;
	(pc) =	sbr.abs _section_cstart, $3  }
0x38: {  	[dreg:$0x1] =	wrdreg $0xFFFFFFFF  }
0x39: {  	_ =	task.clear_ibuf [dreg:s7], $0x2FFFF;
	_ =	strace $0x9FFFFFFF  }
0x3a: {  	(tm) =	ssettm $0x7FFFFFFF  }
0x3b: {  	_ =	shalt  }
tec
execute0_lowered:
.L_overlay_start_1:
0x0: {  	(tag) =	ssettag $0x1  }
0x1: {  	s0 =	srdreg.scid  }
0x2: {  	s1 =	sshll.u32 s0, $0x4  }
0x3: {  	s0 =	stileid.u32;
	s1 =	sand.u32 $0x10, s1  }
0x4: {  	s1 =	sor.u32 s0, s1  }
0x5: {  	s6 =	rddreg [dreg:$0x0];
	s4 =	simm.s32 $0x1;
	s2 =	sshll.u32 s1, $0x7  }
0x6: {  	s7 =	simm.s32 $0x2;
	s12 =	simm.s32 $0x0;
	s1 =	ssub.s32 $0x4000, s2  }
0x7: {  	s8 =	simm.s32 $0x20000;
	s13 =	simm.s32 $0x0;
	s3 =	sand.u32 $0xF80, s1  }
0x8: {  	s9 =	simm.s32 $0x0;
	s5 =	sshrl.u32 s1, $0xC;
	p0 =	sne.s32 s3, $0x0  }
.Ltmp0:
0x9: {  	s1 =	rddreg [dreg:$0x2];
	s4 =	simm.s32 @!p0 $0x0;
	(pc) =	sbr.rel .LBB1_1-.Ltmp0, $4  }
0xa: {  	s11 =	simm.s32 $0x0;
	s3 =	rddreg [dreg:$0x1];
	s5 =	sadd.s32 s4, s5  }
0xb: {  	_ =	strace $0x8000004A;
	s4 =	simm.s32 $0x1;
	s5 =	smul.u32 $0x32, s5  }
0xc: {  	s6 =	sadd.s32 $0x1400, s6;
	s10 =	smov.u32 s2;
	[sflag:s4] =	ssyncpa.u1 $0x0  }
0xd: {  	p0 =	por $0x0, $0x0;
	[sflag:s7] =	ssyncpa.u1 $0x0;
	s7 =	sor.u32 $0x1, s5  }
.LBB1_4:
0xe: {  	s16 =	sshll.u32 s13, $0x3;
	s17 =	sand.u32 $0x78, s13  }
0xf: {  	s30 =	sand.u32 $0xF800, s13;
	s12 =	sshll.u32 s12, $0x10;
	s16 =	sand.u32 $0x3C00, s16  }
0x10: {  	s31 =	sand.u32 $0x7, s13;
	s16 =	sor.u32 s17, s16;
	s17 =	sadd.s32 s3, s30  }
0x11: {  	s13 =	sshll.u32 s31, $0x12;
	s16 =	sshrl.u32 s16, $0x3;
	s12 =	sadd.s32 s12, s17  }
0x12: {  	[tilespmem:s15+$0x0 ss:$0x81] =	vst.msk $0xffff, v0;
	s13 =	sor.u32 $0x400, s13;
	s12 =	sadd.s32 s16, s12  }
0x13: {  	[hbm4b:s12+s13] =	stream.strided.scatter [tilespmem:s14], [sflag:$0x2], $0x1000, s8, s13, $0x20;
	[tilespmem:$0x4040] =	vst v63  }
.LBB1_5:
0x14: {  	s14 =	sadd.s32 $0x1, s9  }
0x15: {  	s12 =	sadd.s32 $0x1000, s10;
	s16 =	smov.u32 s10;
	p2 =	sgt.s32 s14, $0x31  }
0x16: {  	s16 =	smov.u32 @p2 s12  }
0x17: {  	s14 =	simm.s32 @p2 $0x0;
	p2 =	sgt.s32 s16, $0x3FFF  }
0x18: {  	s16 =	smov.u32 @p2 s2;
	p2 =	sne.s32 s11, s7  }
.Ltmp1:
0x19: {  	p1 =	slt.u32 s11, $0x2;
	(pc) =	sbr.rel @!p2 .LBB1_6-.Ltmp1, $4  }
0x1a: {  	s15 =	simm.s32 @!p1 $0x2  }
0x1b: {  	s13 =	smov.u32 s10;
	p0 =	por !p0, !p0;
	_ =	swait.ge @!p1 [sflag:s15], $0x1000  }
0x1c: {  	s12 =	smov.u32 s9;
	[sflag:s15] =	ssyncset.done @!p1 $0x0;
	s9 =	smov.u32 s14  }
0x1d: {  	s11 =	sadd.s32 $0x1, s11;
	[sflag:s15] =	ssyncadd.s32 @!p1 $0xFFFFF000;
	s10 =	smov.u32 s16  }
.LBB1_1:
0x1e: {  	p1 =	sge.u32 s11, s5  }
0x1f: {  	s14 =	sand.u32 @!p1 $0x1FFFFFF, s9  }
0x20: {  	s15 =	smulhi.u32 @!p1 $0x4924925, s14;
	_ =	sdelay $0x1  }
0x21: {  	s15 =	smul.u32 @!p1 $0x38, s15  }
0x22: {  	s16 =	sxor.u32 @!p1 $0xFFFFFFFF, s11;
	s17 =	smul.u32 @!p1 $0x380, s10  }
0x23: {  	s31 =	sadd.s32 $0xFFFFFFFF, s11;
	s16 =	sshll.u32 @!p1 s16, $0xC;
	s14 =	ssub.s32 @!p1 s14, s15  }
0x24: {  	s15 =	sand.u32 @!p1 $0x1000, s16;
	s16 =	sadd.s32 @!p1 s6, s17;
	s14 =	sshll.u32 @!p1 s14, $0x4  }
0x25: {  	s17 =	simm.s32 @!p1 $0x1C00;
	s14 =	sadd.s32 @!p1 s14, s16;
	s16 =	simm.s32 @!p1 $0x20  }
0x26: {  	[tilespmem:s15], [sflag:$0x1] =	stream.strided.gather @!p1 [hbm4b:s14+s16], $0x1000, s17, s16, $0x38;
	[tilespmem:$0x4040] =	vst v63  }
0x27: {  	p1 =	sge.u32 s31, s5  }
.Ltmp2:
0x28: {  	_ = 	snop;
	(pc) =	sbr.rel @p1 .LBB1_5-.Ltmp2, $1  }
0x29: {  	_ =	sdelay $0x3  }
0x2a: {  	s14 =	simm.s32 $0x1  }
0x2b: {  	_ =	swait.ge [sflag:s4], $0x1000;
	s14 =	simm.s32 @!p0 $0x0  }
0x2c: {  	[sflag:s4] =	ssyncset.done $0x0;
	s15 =	sshll.u32 s14, $0xC  }
0x2d: {  	[sflag:s4] =	ssyncadd.s32 $0xFFFFF000;
	s18 =	sor.u32 $0x10, s15  }
0x2e: {  	s14 =	smul.u32 $0x4080, s14;
	v1 =	vld [tilespmem:s18+$0x0]  }
0x2f: {  	s30 =	sand.u32 $0x1, s11;
	v0 =	vld [tilespmem:s18+$0xFFFFFFF0]  }
0x30: {  	s15 =	smul.u32 $0x4080, s30;
	s14 =	sshrl.u32 s14, $0x2  }
0x31: {  	s16 =	sor.u32 $0x2000, s14  }
0x32: {  	s31 =	sshrl.u32 s15, $0x2;
	s15 =	sadd.s32 $0x0, s16  }
0x33: {  	s17 =	simm.s32 $0x4;
	s18 =	sadd.s32 $0x20, s18;
	s14 =	sor.u32 $0x2000, s31;
	[tilespmem:s15+$0x810 ss:$0x81] =	vst.msk $0xffff, v1  }
.LBB1_3:
0x34: {  	v1 =	vld [tilespmem:s18+$0x0];
	p1 =	sne.s32 s17, $0x1FC;
	[tilespmem:s15+$0x0 ss:$0x81] =	vst.msk $0xffff, v0;
	s15 =	smov.u32 s17;
	s17 =	sadd.s32 $0x4, s17  }
.Ltmp3:
0x35: {  	v0 =	vld [tilespmem:s18+$0xFFFFFFF0];
	(pc) =	sbr.rel @p1 .LBB1_3-.Ltmp3, $4  }
0x36: {  	_ = 	snop  }
0x37: {  	s15 =	sshra.s32 s15, $0x2  }
0x38: {  	s15 =	sadd.s32 s15, s16  }
0x39: {  	s18 =	sadd.s32 $0x20, s18;
	[tilespmem:s15+$0x810 ss:$0x81] =	vst.msk $0xffff, v1  }
.Ltmp4:
0x3a: {  	_ = 	snop;
	(pc) =	sbr.rel .LBB1_4-.Ltmp4, $1  }
0x3b: {  	_ =	sdelay $0x3  }
.LBB1_6:
0x3c: {  	_ =	sfence.sel $0x180000  }
0x3d: {  	s2 =	simm.s32 $0x1;
	[bflag:$0x0] =	sbarrier.arrive $0xFFFF  }
0x3e: {  	s31 =	simm.s32 $0x2;
	[sflag:s2] =	ssyncpa.u1 $0x1  }
0x3f: {  	[sflag:s31] =	ssyncpa.u1 $0x1  }
0x40: {  	p0 =	sne.s32 s0, $0x0;
	_ =	strace $0x9000004A  }
0x41: {  	s0 =	sadd.s32 @!p0 $0x100000, s1;
	[bflag:$0x2] =	sbarrier.arrive $0xFFFF  }
0x42: {  	[sflag:s0] =	ssyncadd.tile.s32 @!p0 $0x1;
	_ =	shalt  }
.Lfunc_end1:
_tile_overlayer_lowered:
.L_overlay_start_2:
0x43: {  	(tag) =	ssettag $0x2  }
0x44: {  	s0 =	rddreg [dreg:$0x0];
	s2 =	stileid.u32  }
0x45: {  	s1 =	rddreg [dreg:$0x1];
	p0 =	sne.s32 s2, $0x0  }
0x46: {  	s3 =	rddreg [dreg:$0x2];
	[bflag:$0x3] =	sbarrier.arrive $0xFFFF;
	s2 =	simm.s32 @!p0 $0x1C01  }
0x47: {  	[timem:s3], [sflag:s2] =	dma.local @!p0 [hbm:s0], s1  }
0x48: {  	s0 =	simm.s32 @!p0 $0x1  }
0x49: {  	_ =	swait.ge @!p0 [sflag:s0], s1  }
0x4a: {  	s1 =	ssub.s32 @!p0 $0x0, s1;
	[sflag:s0] =	ssyncset.done @!p0 $0x0  }
0x4b: {  	[sflag:s0] =	ssyncadd.s32 @!p0 s1  }
0x4c: {  	[bflag:$0x3] =	sbarrier.arrive $0xFFFF  }
0x4d: {  	_ =	shalt  }

</sc_bundles>
